<compile_context>
chip_gen: v7x
topology: tpu7x:2x2x1
jax: 0.10.2.dev20260603
libtpu: 0.0.44.dev20260713+nightly
codegen_flags: <defaults>
</compile_context>

<pallas_src>
import functools

import jax
import jax.numpy as jnp
from jax import lax
from jax.experimental import pallas as pl
from jax.experimental.pallas import tpu as pltpu
from jax.experimental.pallas import tpu_sc as plsc

_SLOTS = 10
_PROWS = 16
_COL_BLOCK = 8192
_UNROLL = 16
_CCHUNKS = 4
_SCHUNKS = 2


def _proj_body(w_ref, embt_ref, out_ref):
    out_ref[...] = lax.dot_general(
        w_ref[...], embt_ref[...],
        dimension_numbers=(((1,), (0,)), ((), ())),
        preferred_element_type=jnp.float32)


def _reduce_body(part_ref, side_ref, wb_ref, out_ref):
    acc = side_ref[...] * wb_ref[0] + wb_ref[1]
    for k in range(_SLOTS):
        acc = acc + part_ref[k]
    out_ref[...] = jax.nn.sigmoid(acc)


def kernel(blue_idx, red_idx, side_flag, emb_table, W, bias):
    V, D = emb_table.shape
    B = blue_idx.shape[0]
    nblk = -(-V // _COL_BLOCK)
    Vp = nblk * _COL_BLOCK

    Wrows = W[:D * _SLOTS, 0].reshape(_SLOTS, D)
    WpadT = jnp.zeros((_PROWS, D), jnp.float32).at[:_SLOTS, :].set(Wrows)
    proj_t = pl.pallas_call(
        _proj_body,
        grid=(nblk,),
        in_specs=[pl.BlockSpec((_PROWS, D), lambda i: (0, 0)),
                  pl.BlockSpec((D, _COL_BLOCK), lambda i: (0, i))],
        out_specs=pl.BlockSpec((_PROWS, _COL_BLOCK), lambda i: (0, i)),
        out_shape=jax.ShapeDtypeStruct((_PROWS, Vp), jnp.float32),
    )(WpadT, emb_table.T)

    info = plsc.get_sparse_core_info()
    NC, NS = info.num_cores, info.num_subcores
    HB = B // NC

    idx_t = jnp.concatenate([blue_idx, red_idx], axis=1).astype(
        jnp.int32).T.reshape(_SLOTS, NC, HB)

    @functools.partial(
        pl.kernel,
        out_type=jax.ShapeDtypeStruct((_SLOTS, NC, HB), jnp.float32),
        mesh=plsc.VectorSubcoreMesh(core_axis_name="c", subcore_axis_name="s"),
        compiler_params=pltpu.CompilerParams(needs_layout_passes=False),
        scratch_types=[
            pltpu.VMEM((Vp,), jnp.float32),
            pltpu.VMEM((HB // _SCHUNKS,), jnp.int32),
            pltpu.VMEM((HB // _SCHUNKS,), jnp.float32),
        ],
    )
    def _sc(pt_hbm, idx_hbm, part_hbm, col_v, idx_v, acc_v):
        s = lax.axis_index("s")
        h = lax.axis_index("c")

        @pl.when(s < _SLOTS)
        def _gather_phase():
            vchunk = Vp // _CCHUNKS
            for t in range(_CCHUNKS):
                pltpu.sync_copy(pt_hbm.at[s, pl.ds(t * vchunk, vchunk)],
                                col_v.at[pl.ds(t * vchunk, vchunk)])
            schunk = HB // _SCHUNKS
            for t in range(_SCHUNKS):
                pltpu.sync_copy(idx_hbm.at[s, h, pl.ds(t * schunk, schunk)],
                                idx_v)

                def gbody(g, carry):
                    for u in range(_UNROLL):
                        vv = g * _UNROLL + u
                        iv = idx_v[pl.ds(vv * 16, 16)]
                        acc_v[pl.ds(vv * 16, 16)] = plsc.load_gather(
                            col_v, [iv])
                    return carry

                lax.fori_loop(0, schunk // (16 * _UNROLL), gbody, 0)
                pltpu.sync_copy(acc_v,
                                part_hbm.at[s, h, pl.ds(t * schunk, schunk)])

    part = _sc(proj_t, idx_t)

    part3 = part.reshape(_SLOTS, B // 128, 128)
    side2 = side_flag.astype(jnp.float32).reshape(B // 128, 128)
    wb = jnp.stack([W[D * _SLOTS, 0], bias[0]])
    out2 = pl.pallas_call(
        _reduce_body,
        grid=(1,),
        in_specs=[
            pl.BlockSpec((_SLOTS, B // 128, 128), lambda i: (0, 0, 0)),
            pl.BlockSpec((B // 128, 128), lambda i: (0, 0)),
            pl.BlockSpec(memory_space=pltpu.SMEM),
        ],
        out_specs=pl.BlockSpec((B // 128, 128), lambda i: (0, 0)),
        out_shape=jax.ShapeDtypeStruct((B // 128, 128), jnp.float32),
    )(part3, side2, wb)
    return out2.reshape(B, 1)

# --- scband reference (transcript-rebuilt; emitter-appended) ---
"""Pipeline reference for scband-comp-embed-net-36739150250405 (READ-ONLY COPY).

The authoritative reference and input builder live on the scoring server;
editing this copy changes nothing except your own understanding.
"""

import jax, jax.numpy as jnp
import numpy as np

NUM_CHAMPS = 100000
EMB_DIM = 64
BATCH = 16384

def setup_inputs(seed: int = 0) -> dict:
    key = jax.random.key(seed)
    k1, k2, k3, k4, k5, k6 = jax.random.split(key, 6)
    blue_idx = jax.random.randint(k1, (BATCH, 5), 0, NUM_CHAMPS, dtype=jnp.int64 if jax.config.jax_enable_x64 else jnp.int32)
    red_idx = jax.random.randint(k2, (BATCH, 5), 0, NUM_CHAMPS, dtype=jnp.int64 if jax.config.jax_enable_x64 else jnp.int32)
    side_flag = jax.random.uniform(k3, (BATCH,), dtype=jnp.float32)
    emb_table = jax.random.normal(k4, (NUM_CHAMPS, EMB_DIM), dtype=jnp.float32)
    W = jax.random.normal(k5, (EMB_DIM * 10 + 1, 1), dtype=jnp.float32) * 0.05
    bias = jax.random.normal(k6, (1,), dtype=jnp.float32) * 0.05
    return {"blue_idx": blue_idx, "red_idx": red_idx, "side_flag": side_flag,
            "emb_table": emb_table, "W": W, "bias": bias}

def reference(blue_idx, red_idx, side_flag, emb_table, W, bias):
    # embedding gathers (SparseCore-friendly)
    b = jnp.take(emb_table, blue_idx, axis=0).reshape(blue_idx.shape[0], -1)
    r = jnp.take(emb_table, red_idx, axis=0).reshape(red_idx.shape[0], -1)
    x = jnp.concatenate([b, r, side_flag[:, None]], axis=1)
    return jax.nn.sigmoid(x @ W + bias)

if __name__ == "__main__":
    import jax
    _d = setup_inputs()
    print(jax.jit(kernel)(*tuple(_d.values())))

</pallas_src>

<mosaic_0001>
#map = affine_map<(d0, d1) -> (0, 0)>
#map1 = affine_map<(d0, d1) -> (0, 0, 0)>
module attributes {stable_mosaic.version = 14 : i64} {
  func.func @_sc(%arg0: i32, %arg1: i32, %arg2: memref<16x106496xf32, #tpu.memory_space<hbm>>, %arg3: memref<10x2x8192xi32, #tpu.memory_space<hbm>>, %arg4: memref<10x2x8192xf32, #tpu.memory_space<hbm>>, %arg5: memref<106496xf32, #tpu.memory_space<vmem>>, %arg6: memref<4096xi32, #tpu.memory_space<vmem>>, %arg7: memref<4096xf32, #tpu.memory_space<vmem>>) attributes {dimension_semantics = [#tpu.dimension_semantics<core_parallel>, #tpu.dimension_semantics<subcore_parallel>], iteration_bounds = array<i64: 2, 16>, scalar_prefetch = 0 : i64, scratch_operands = 3 : i64, tpu.core_type = #tpu.core_type<sc_vector_subcore>, window_params = [{transform_indices = #map}, {transform_indices = #map1}, {transform_indices = #map1}]} {
    %lt3A = arith.constant 10 : i32
    %lt3A_0 = arith.cmpi slt, %arg1, %lt3A : i32
    %convert_element_type3A = arith.extui %lt3A_0 : i1 to i32
    %cond3A = arith.constant 0 : i32
    %cond3A_1 = arith.cmpi ne, %convert_element_type3A, %cond3A : i32
    scf.if %cond3A_1 {
      "tpu.region"() ({
        %run_scoped3A = tpu.sem_alloc : memref<!tpu.dma_semaphore, #tpu.memory_space<semaphore_mem>>
        %dma_start3A = arith.constant 0 : i32
        %dma_start3A_13 = tpu.memref_slice %arg5[%dma_start3A] : memref<106496xf32, #tpu.memory_space<vmem>> -> memref<26624xf32, #tpu.memory_space<vmem>>
        %dma_start3A_14 = arith.constant 0 : i32
        %dma_start3A_15 = tpu.memref_slice %arg2[%arg1, %dma_start3A_14] : memref<16x106496xf32, #tpu.memory_space<hbm>> -> memref<1x26624xf32, #tpu.memory_space<hbm>>
        %dma_start3A_16 = tpu.memref_squeeze %dma_start3A_15 : memref<1x26624xf32, #tpu.memory_space<hbm>> -> memref<26624xf32, #tpu.memory_space<hbm>>
        %dma_start3A_17 = arith.constant 0 : i32
        %dma_start3A_18 = tpu.memref_slice %arg5[%dma_start3A_17] : memref<106496xf32, #tpu.memory_space<vmem>> -> memref<26624xf32, #tpu.memory_space<vmem>>
        %dma_start3A_19 = arith.constant 0 : i32
        %dma_start3A_20 = tpu.memref_slice %arg2[%arg1, %dma_start3A_19] : memref<16x106496xf32, #tpu.memory_space<hbm>> -> memref<1x26624xf32, #tpu.memory_space<hbm>>
        %dma_start3A_21 = tpu.memref_squeeze %dma_start3A_20 : memref<1x26624xf32, #tpu.memory_space<hbm>> -> memref<26624xf32, #tpu.memory_space<hbm>>
        tpu.enqueue_dma source(%dma_start3A_21 : memref<26624xf32, #tpu.memory_space<hbm>>) target(%dma_start3A_18 : memref<26624xf32, #tpu.memory_space<vmem>>) target_semaphore(%run_scoped3A : memref<!tpu.dma_semaphore, #tpu.memory_space<semaphore_mem>>)
        %dma_wait3A = arith.constant 0 : i32
        %dma_wait3A_22 = tpu.memref_slice %arg5[%dma_wait3A] : memref<106496xf32, #tpu.memory_space<vmem>> -> memref<26624xf32, #tpu.memory_space<vmem>>
        %dma_wait3A_23 = arith.constant 0 : i32
        %dma_wait3A_24 = tpu.memref_slice %arg2[%arg1, %dma_wait3A_23] : memref<16x106496xf32, #tpu.memory_space<hbm>> -> memref<1x26624xf32, #tpu.memory_space<hbm>>
        %dma_wait3A_25 = tpu.memref_squeeze %dma_wait3A_24 : memref<1x26624xf32, #tpu.memory_space<hbm>> -> memref<26624xf32, #tpu.memory_space<hbm>>
        %dma_wait3A_26 = arith.constant 0 : i32
        %dma_wait3A_27 = tpu.memref_slice %arg5[%dma_wait3A_26] : memref<106496xf32, #tpu.memory_space<vmem>> -> memref<26624xf32, #tpu.memory_space<vmem>>
        %dma_wait3A_28 = arith.constant 0 : i32
        %dma_wait3A_29 = tpu.memref_slice %arg2[%arg1, %dma_wait3A_28] : memref<16x106496xf32, #tpu.memory_space<hbm>> -> memref<1x26624xf32, #tpu.memory_space<hbm>>
        %dma_wait3A_30 = tpu.memref_squeeze %dma_wait3A_29 : memref<1x26624xf32, #tpu.memory_space<hbm>> -> memref<26624xf32, #tpu.memory_space<hbm>>
        tpu.wait_dma2 semaphore(%run_scoped3A : memref<!tpu.dma_semaphore, #tpu.memory_space<semaphore_mem>>) src(%dma_wait3A_30 : memref<26624xf32, #tpu.memory_space<hbm>>) dst(%dma_wait3A_27 : memref<26624xf32, #tpu.memory_space<vmem>>)
        tpu.yield
      }) : () -> ()
      "tpu.region"() ({
        %run_scoped3A = tpu.sem_alloc : memref<!tpu.dma_semaphore, #tpu.memory_space<semaphore_mem>>
        %dma_start3A = arith.constant 26624 : i32
        %dma_start3A_13 = tpu.memref_slice %arg5[%dma_start3A] : memref<106496xf32, #tpu.memory_space<vmem>> -> memref<26624xf32, #tpu.memory_space<vmem>>
        %dma_start3A_14 = arith.constant 26624 : i32
        %dma_start3A_15 = tpu.memref_slice %arg2[%arg1, %dma_start3A_14] : memref<16x106496xf32, #tpu.memory_space<hbm>> -> memref<1x26624xf32, #tpu.memory_space<hbm>>
        %dma_start3A_16 = tpu.memref_squeeze %dma_start3A_15 : memref<1x26624xf32, #tpu.memory_space<hbm>> -> memref<26624xf32, #tpu.memory_space<hbm>>
        %dma_start3A_17 = arith.constant 26624 : i32
        %dma_start3A_18 = tpu.memref_slice %arg5[%dma_start3A_17] : memref<106496xf32, #tpu.memory_space<vmem>> -> memref<26624xf32, #tpu.memory_space<vmem>>
        %dma_start3A_19 = arith.constant 26624 : i32
        %dma_start3A_20 = tpu.memref_slice %arg2[%arg1, %dma_start3A_19] : memref<16x106496xf32, #tpu.memory_space<hbm>> -> memref<1x26624xf32, #tpu.memory_space<hbm>>
        %dma_start3A_21 = tpu.memref_squeeze %dma_start3A_20 : memref<1x26624xf32, #tpu.memory_space<hbm>> -> memref<26624xf32, #tpu.memory_space<hbm>>
        tpu.enqueue_dma source(%dma_start3A_21 : memref<26624xf32, #tpu.memory_space<hbm>>) target(%dma_start3A_18 : memref<26624xf32, #tpu.memory_space<vmem>>) target_semaphore(%run_scoped3A : memref<!tpu.dma_semaphore, #tpu.memory_space<semaphore_mem>>)
        %dma_wait3A = arith.constant 26624 : i32
        %dma_wait3A_22 = tpu.memref_slice %arg5[%dma_wait3A] : memref<106496xf32, #tpu.memory_space<vmem>> -> memref<26624xf32, #tpu.memory_space<vmem>>
        %dma_wait3A_23 = arith.constant 26624 : i32
        %dma_wait3A_24 = tpu.memref_slice %arg2[%arg1, %dma_wait3A_23] : memref<16x106496xf32, #tpu.memory_space<hbm>> -> memref<1x26624xf32, #tpu.memory_space<hbm>>
        %dma_wait3A_25 = tpu.memref_squeeze %dma_wait3A_24 : memref<1x26624xf32, #tpu.memory_space<hbm>> -> memref<26624xf32, #tpu.memory_space<hbm>>
        %dma_wait3A_26 = arith.constant 26624 : i32
        %dma_wait3A_27 = tpu.memref_slice %arg5[%dma_wait3A_26] : memref<106496xf32, #tpu.memory_space<vmem>> -> memref<26624xf32, #tpu.memory_space<vmem>>
        %dma_wait3A_28 = arith.constant 26624 : i32
        %dma_wait3A_29 = tpu.memref_slice %arg2[%arg1, %dma_wait3A_28] : memref<16x106496xf32, #tpu.memory_space<hbm>> -> memref<1x26624xf32, #tpu.memory_space<hbm>>
        %dma_wait3A_30 = tpu.memref_squeeze %dma_wait3A_29 : memref<1x26624xf32, #tpu.memory_space<hbm>> -> memref<26624xf32, #tpu.memory_space<hbm>>
        tpu.wait_dma2 semaphore(%run_scoped3A : memref<!tpu.dma_semaphore, #tpu.memory_space<semaphore_mem>>) src(%dma_wait3A_30 : memref<26624xf32, #tpu.memory_space<hbm>>) dst(%dma_wait3A_27 : memref<26624xf32, #tpu.memory_space<vmem>>)
        tpu.yield
      }) : () -> ()
      "tpu.region"() ({
        %run_scoped3A = tpu.sem_alloc : memref<!tpu.dma_semaphore, #tpu.memory_space<semaphore_mem>>
        %dma_start3A = arith.constant 53248 : i32
        %dma_start3A_13 = tpu.memref_slice %arg5[%dma_start3A] : memref<106496xf32, #tpu.memory_space<vmem>> -> memref<26624xf32, #tpu.memory_space<vmem>>
        %dma_start3A_14 = arith.constant 53248 : i32
        %dma_start3A_15 = tpu.memref_slice %arg2[%arg1, %dma_start3A_14] : memref<16x106496xf32, #tpu.memory_space<hbm>> -> memref<1x26624xf32, #tpu.memory_space<hbm>>
        %dma_start3A_16 = tpu.memref_squeeze %dma_start3A_15 : memref<1x26624xf32, #tpu.memory_space<hbm>> -> memref<26624xf32, #tpu.memory_space<hbm>>
        %dma_start3A_17 = arith.constant 53248 : i32
        %dma_start3A_18 = tpu.memref_slice %arg5[%dma_start3A_17] : memref<106496xf32, #tpu.memory_space<vmem>> -> memref<26624xf32, #tpu.memory_space<vmem>>
        %dma_start3A_19 = arith.constant 53248 : i32
        %dma_start3A_20 = tpu.memref_slice %arg2[%arg1, %dma_start3A_19] : memref<16x106496xf32, #tpu.memory_space<hbm>> -> memref<1x26624xf32, #tpu.memory_space<hbm>>
        %dma_start3A_21 = tpu.memref_squeeze %dma_start3A_20 : memref<1x26624xf32, #tpu.memory_space<hbm>> -> memref<26624xf32, #tpu.memory_space<hbm>>
        tpu.enqueue_dma source(%dma_start3A_21 : memref<26624xf32, #tpu.memory_space<hbm>>) target(%dma_start3A_18 : memref<26624xf32, #tpu.memory_space<vmem>>) target_semaphore(%run_scoped3A : memref<!tpu.dma_semaphore, #tpu.memory_space<semaphore_mem>>)
        %dma_wait3A = arith.constant 53248 : i32
        %dma_wait3A_22 = tpu.memref_slice %arg5[%dma_wait3A] : memref<106496xf32, #tpu.memory_space<vmem>> -> memref<26624xf32, #tpu.memory_space<vmem>>
        %dma_wait3A_23 = arith.constant 53248 : i32
        %dma_wait3A_24 = tpu.memref_slice %arg2[%arg1, %dma_wait3A_23] : memref<16x106496xf32, #tpu.memory_space<hbm>> -> memref<1x26624xf32, #tpu.memory_space<hbm>>
        %dma_wait3A_25 = tpu.memref_squeeze %dma_wait3A_24 : memref<1x26624xf32, #tpu.memory_space<hbm>> -> memref<26624xf32, #tpu.memory_space<hbm>>
        %dma_wait3A_26 = arith.constant 53248 : i32
        %dma_wait3A_27 = tpu.memref_slice %arg5[%dma_wait3A_26] : memref<106496xf32, #tpu.memory_space<vmem>> -> memref<26624xf32, #tpu.memory_space<vmem>>
        %dma_wait3A_28 = arith.constant 53248 : i32
        %dma_wait3A_29 = tpu.memref_slice %arg2[%arg1, %dma_wait3A_28] : memref<16x106496xf32, #tpu.memory_space<hbm>> -> memref<1x26624xf32, #tpu.memory_space<hbm>>
        %dma_wait3A_30 = tpu.memref_squeeze %dma_wait3A_29 : memref<1x26624xf32, #tpu.memory_space<hbm>> -> memref<26624xf32, #tpu.memory_space<hbm>>
        tpu.wait_dma2 semaphore(%run_scoped3A : memref<!tpu.dma_semaphore, #tpu.memory_space<semaphore_mem>>) src(%dma_wait3A_30 : memref<26624xf32, #tpu.memory_space<hbm>>) dst(%dma_wait3A_27 : memref<26624xf32, #tpu.memory_space<vmem>>)
        tpu.yield
      }) : () -> ()
      "tpu.region"() ({
        %run_scoped3A = tpu.sem_alloc : memref<!tpu.dma_semaphore, #tpu.memory_space<semaphore_mem>>
        %dma_start3A = arith.constant 79872 : i32
        %dma_start3A_13 = tpu.memref_slice %arg5[%dma_start3A] : memref<106496xf32, #tpu.memory_space<vmem>> -> memref<26624xf32, #tpu.memory_space<vmem>>
        %dma_start3A_14 = arith.constant 79872 : i32
        %dma_start3A_15 = tpu.memref_slice %arg2[%arg1, %dma_start3A_14] : memref<16x106496xf32, #tpu.memory_space<hbm>> -> memref<1x26624xf32, #tpu.memory_space<hbm>>
        %dma_start3A_16 = tpu.memref_squeeze %dma_start3A_15 : memref<1x26624xf32, #tpu.memory_space<hbm>> -> memref<26624xf32, #tpu.memory_space<hbm>>
        %dma_start3A_17 = arith.constant 79872 : i32
        %dma_start3A_18 = tpu.memref_slice %arg5[%dma_start3A_17] : memref<106496xf32, #tpu.memory_space<vmem>> -> memref<26624xf32, #tpu.memory_space<vmem>>
        %dma_start3A_19 = arith.constant 79872 : i32
        %dma_start3A_20 = tpu.memref_slice %arg2[%arg1, %dma_start3A_19] : memref<16x106496xf32, #tpu.memory_space<hbm>> -> memref<1x26624xf32, #tpu.memory_space<hbm>>
        %dma_start3A_21 = tpu.memref_squeeze %dma_start3A_20 : memref<1x26624xf32, #tpu.memory_space<hbm>> -> memref<26624xf32, #tpu.memory_space<hbm>>
        tpu.enqueue_dma source(%dma_start3A_21 : memref<26624xf32, #tpu.memory_space<hbm>>) target(%dma_start3A_18 : memref<26624xf32, #tpu.memory_space<vmem>>) target_semaphore(%run_scoped3A : memref<!tpu.dma_semaphore, #tpu.memory_space<semaphore_mem>>)
        %dma_wait3A = arith.constant 79872 : i32
        %dma_wait3A_22 = tpu.memref_slice %arg5[%dma_wait3A] : memref<106496xf32, #tpu.memory_space<vmem>> -> memref<26624xf32, #tpu.memory_space<vmem>>
        %dma_wait3A_23 = arith.constant 79872 : i32
        %dma_wait3A_24 = tpu.memref_slice %arg2[%arg1, %dma_wait3A_23] : memref<16x106496xf32, #tpu.memory_space<hbm>> -> memref<1x26624xf32, #tpu.memory_space<hbm>>
        %dma_wait3A_25 = tpu.memref_squeeze %dma_wait3A_24 : memref<1x26624xf32, #tpu.memory_space<hbm>> -> memref<26624xf32, #tpu.memory_space<hbm>>
        %dma_wait3A_26 = arith.constant 79872 : i32
        %dma_wait3A_27 = tpu.memref_slice %arg5[%dma_wait3A_26] : memref<106496xf32, #tpu.memory_space<vmem>> -> memref<26624xf32, #tpu.memory_space<vmem>>
        %dma_wait3A_28 = arith.constant 79872 : i32
        %dma_wait3A_29 = tpu.memref_slice %arg2[%arg1, %dma_wait3A_28] : memref<16x106496xf32, #tpu.memory_space<hbm>> -> memref<1x26624xf32, #tpu.memory_space<hbm>>
        %dma_wait3A_30 = tpu.memref_squeeze %dma_wait3A_29 : memref<1x26624xf32, #tpu.memory_space<hbm>> -> memref<26624xf32, #tpu.memory_space<hbm>>
        tpu.wait_dma2 semaphore(%run_scoped3A : memref<!tpu.dma_semaphore, #tpu.memory_space<semaphore_mem>>) src(%dma_wait3A_30 : memref<26624xf32, #tpu.memory_space<hbm>>) dst(%dma_wait3A_27 : memref<26624xf32, #tpu.memory_space<vmem>>)
        tpu.yield
      }) : () -> ()
      "tpu.region"() ({
        %run_scoped3A = tpu.sem_alloc : memref<!tpu.dma_semaphore, #tpu.memory_space<semaphore_mem>>
        %dma_start3A = arith.constant 0 : i32
        %dma_start3A_13 = tpu.memref_slice %arg3[%arg1, %arg0, %dma_start3A] : memref<10x2x8192xi32, #tpu.memory_space<hbm>> -> memref<1x1x4096xi32, #tpu.memory_space<hbm>>
        %dma_start3A_14 = tpu.memref_squeeze %dma_start3A_13 : memref<1x1x4096xi32, #tpu.memory_space<hbm>> -> memref<4096xi32, #tpu.memory_space<hbm>>
        %dma_start3A_15 = arith.constant 0 : i32
        %dma_start3A_16 = tpu.memref_slice %arg3[%arg1, %arg0, %dma_start3A_15] : memref<10x2x8192xi32, #tpu.memory_space<hbm>> -> memref<1x1x4096xi32, #tpu.memory_space<hbm>>
        %dma_start3A_17 = tpu.memref_squeeze %dma_start3A_16 : memref<1x1x4096xi32, #tpu.memory_space<hbm>> -> memref<4096xi32, #tpu.memory_space<hbm>>
        tpu.enqueue_dma source(%dma_start3A_17 : memref<4096xi32, #tpu.memory_space<hbm>>) target(%arg6 : memref<4096xi32, #tpu.memory_space<vmem>>) target_semaphore(%run_scoped3A : memref<!tpu.dma_semaphore, #tpu.memory_space<semaphore_mem>>)
        %dma_wait3A = arith.constant 0 : i32
        %dma_wait3A_18 = tpu.memref_slice %arg3[%arg1, %arg0, %dma_wait3A] : memref<10x2x8192xi32, #tpu.memory_space<hbm>> -> memref<1x1x4096xi32, #tpu.memory_space<hbm>>
        %dma_wait3A_19 = tpu.memref_squeeze %dma_wait3A_18 : memref<1x1x4096xi32, #tpu.memory_space<hbm>> -> memref<4096xi32, #tpu.memory_space<hbm>>
        %dma_wait3A_20 = arith.constant 0 : i32
        %dma_wait3A_21 = tpu.memref_slice %arg3[%arg1, %arg0, %dma_wait3A_20] : memref<10x2x8192xi32, #tpu.memory_space<hbm>> -> memref<1x1x4096xi32, #tpu.memory_space<hbm>>
        %dma_wait3A_22 = tpu.memref_squeeze %dma_wait3A_21 : memref<1x1x4096xi32, #tpu.memory_space<hbm>> -> memref<4096xi32, #tpu.memory_space<hbm>>
        tpu.wait_dma2 semaphore(%run_scoped3A : memref<!tpu.dma_semaphore, #tpu.memory_space<semaphore_mem>>) src(%dma_wait3A_22 : memref<4096xi32, #tpu.memory_space<hbm>>) dst(%arg6 : memref<4096xi32, #tpu.memory_space<vmem>>)
        tpu.yield
      }) : () -> ()
      %scan3A = arith.constant 0 : i32
      %scan3A_2 = arith.constant 0 : i32
      %scan3A_3 = arith.constant 16 : i32
      %scan3A_4 = arith.addi %scan3A_2, %scan3A_3 : i32
      %scan3A_5 = arith.constant 1 : i32
      scf.for %scan3A_13 = %scan3A_2 to %scan3A_4 step %scan3A_5  : i32 {
        %mul3A = arith.constant 16 : i32
        %mul3A_14 = arith.muli %scan3A_13, %mul3A : i32
        %add3A = arith.constant 0 : i32
        %add3A_15 = arith.addi %mul3A_14, %add3A : i32
        %mul3A_16 = arith.constant 16 : i32
        %mul3A_17 = arith.muli %add3A_15, %mul3A_16 : i32
        %get3A = arith.index_cast %mul3A_17 : i32 to index
        %get3A_18 = tpu.vector_load %arg6[%get3A] {strides = array<i32>} : memref<4096xi32, #tpu.memory_space<vmem>>, vector<16xi32>,
        %gather3A = tpu.vector_load_idx %arg5[%get3A_18] : memref<106496xf32, #tpu.memory_space<vmem>>[vector<16xi32>], vector<16xf32>,
        %mul3A_19 = arith.constant 16 : i32
        %mul3A_20 = arith.muli %add3A_15, %mul3A_19 : i32
        %swap3A = arith.index_cast %mul3A_20 : i32 to index
        %swap3A_21 = tpu.vector_load %arg7[%swap3A] {strides = array<i32>} : memref<4096xf32, #tpu.memory_space<vmem>>, vector<16xf32>,
        tpu.vector_store %arg7[%swap3A], %gather3A {strides = array<i32>} : memref<4096xf32, #tpu.memory_space<vmem>>, vector<16xf32>,
        %mul3A_22 = arith.constant 16 : i32
        %mul3A_23 = arith.muli %scan3A_13, %mul3A_22 : i32
        %add3A_24 = arith.constant 1 : i32
        %add3A_25 = arith.addi %mul3A_23, %add3A_24 : i32
        %mul3A_26 = arith.constant 16 : i32
        %mul3A_27 = arith.muli %add3A_25, %mul3A_26 : i32
        %get3A_28 = arith.index_cast %mul3A_27 : i32 to index
        %get3A_29 = tpu.vector_load %arg6[%get3A_28] {strides = array<i32>} : memref<4096xi32, #tpu.memory_space<vmem>>, vector<16xi32>,
        %gather3A_30 = tpu.vector_load_idx %arg5[%get3A_29] : memref<106496xf32, #tpu.memory_space<vmem>>[vector<16xi32>], vector<16xf32>,
        %mul3A_31 = arith.constant 16 : i32
        %mul3A_32 = arith.muli %add3A_25, %mul3A_31 : i32
        %swap3A_33 = arith.index_cast %mul3A_32 : i32 to index
        %swap3A_34 = tpu.vector_load %arg7[%swap3A_33] {strides = array<i32>} : memref<4096xf32, #tpu.memory_space<vmem>>, vector<16xf32>,
        tpu.vector_store %arg7[%swap3A_33], %gather3A_30 {strides = array<i32>} : memref<4096xf32, #tpu.memory_space<vmem>>, vector<16xf32>,
        %mul3A_35 = arith.constant 16 : i32
        %mul3A_36 = arith.muli %scan3A_13, %mul3A_35 : i32
        %add3A_37 = arith.constant 2 : i32
        %add3A_38 = arith.addi %mul3A_36, %add3A_37 : i32
        %mul3A_39 = arith.constant 16 : i32
        %mul3A_40 = arith.muli %add3A_38, %mul3A_39 : i32
        %get3A_41 = arith.index_cast %mul3A_40 : i32 to index
        %get3A_42 = tpu.vector_load %arg6[%get3A_41] {strides = array<i32>} : memref<4096xi32, #tpu.memory_space<vmem>>, vector<16xi32>,
        %gather3A_43 = tpu.vector_load_idx %arg5[%get3A_42] : memref<106496xf32, #tpu.memory_space<vmem>>[vector<16xi32>], vector<16xf32>,
        %mul3A_44 = arith.constant 16 : i32
        %mul3A_45 = arith.muli %add3A_38, %mul3A_44 : i32
        %swap3A_46 = arith.index_cast %mul3A_45 : i32 to index
        %swap3A_47 = tpu.vector_load %arg7[%swap3A_46] {strides = array<i32>} : memref<4096xf32, #tpu.memory_space<vmem>>, vector<16xf32>,
        tpu.vector_store %arg7[%swap3A_46], %gather3A_43 {strides = array<i32>} : memref<4096xf32, #tpu.memory_space<vmem>>, vector<16xf32>,
        %mul3A_48 = arith.constant 16 : i32
        %mul3A_49 = arith.muli %scan3A_13, %mul3A_48 : i32
        %add3A_50 = arith.constant 3 : i32
        %add3A_51 = arith.addi %mul3A_49, %add3A_50 : i32
        %mul3A_52 = arith.constant 16 : i32
        %mul3A_53 = arith.muli %add3A_51, %mul3A_52 : i32
        %get3A_54 = arith.index_cast %mul3A_53 : i32 to index
        %get3A_55 = tpu.vector_load %arg6[%get3A_54] {strides = array<i32>} : memref<4096xi32, #tpu.memory_space<vmem>>, vector<16xi32>,
        %gather3A_56 = tpu.vector_load_idx %arg5[%get3A_55] : memref<106496xf32, #tpu.memory_space<vmem>>[vector<16xi32>], vector<16xf32>,
        %mul3A_57 = arith.constant 16 : i32
        %mul3A_58 = arith.muli %add3A_51, %mul3A_57 : i32
        %swap3A_59 = arith.index_cast %mul3A_58 : i32 to index
        %swap3A_60 = tpu.vector_load %arg7[%swap3A_59] {strides = array<i32>} : memref<4096xf32, #tpu.memory_space<vmem>>, vector<16xf32>,
        tpu.vector_store %arg7[%swap3A_59], %gather3A_56 {strides = array<i32>} : memref<4096xf32, #tpu.memory_space<vmem>>, vector<16xf32>,
        %mul3A_61 = arith.constant 16 : i32
        %mul3A_62 = arith.muli %scan3A_13, %mul3A_61 : i32
        %add3A_63 = arith.constant 4 : i32
        %add3A_64 = arith.addi %mul3A_62, %add3A_63 : i32
        %mul3A_65 = arith.constant 16 : i32
        %mul3A_66 = arith.muli %add3A_64, %mul3A_65 : i32
        %get3A_67 = arith.index_cast %mul3A_66 : i32 to index
        %get3A_68 = tpu.vector_load %arg6[%get3A_67] {strides = array<i32>} : memref<4096xi32, #tpu.memory_space<vmem>>, vector<16xi32>,
        %gather3A_69 = tpu.vector_load_idx %arg5[%get3A_68] : memref<106496xf32, #tpu.memory_space<vmem>>[vector<16xi32>], vector<16xf32>,
        %mul3A_70 = arith.constant 16 : i32
        %mul3A_71 = arith.muli %add3A_64, %mul3A_70 : i32
        %swap3A_72 = arith.index_cast %mul3A_71 : i32 to index
        %swap3A_73 = tpu.vector_load %arg7[%swap3A_72] {strides = array<i32>} : memref<4096xf32, #tpu.memory_space<vmem>>, vector<16xf32>,
        tpu.vector_store %arg7[%swap3A_72], %gather3A_69 {strides = array<i32>} : memref<4096xf32, #tpu.memory_space<vmem>>, vector<16xf32>,
        %mul3A_74 = arith.constant 16 : i32
        %mul3A_75 = arith.muli %scan3A_13, %mul3A_74 : i32
        %add3A_76 = arith.constant 5 : i32
        %add3A_77 = arith.addi %mul3A_75, %add3A_76 : i32
        %mul3A_78 = arith.constant 16 : i32
        %mul3A_79 = arith.muli %add3A_77, %mul3A_78 : i32
        %get3A_80 = arith.index_cast %mul3A_79 : i32 to index
        %get3A_81 = tpu.vector_load %arg6[%get3A_80] {strides = array<i32>} : memref<4096xi32, #tpu.memory_space<vmem>>, vector<16xi32>,
        %gather3A_82 = tpu.vector_load_idx %arg5[%get3A_81] : memref<106496xf32, #tpu.memory_space<vmem>>[vector<16xi32>], vector<16xf32>,
        %mul3A_83 = arith.constant 16 : i32
        %mul3A_84 = arith.muli %add3A_77, %mul3A_83 : i32
        %swap3A_85 = arith.index_cast %mul3A_84 : i32 to index
        %swap3A_86 = tpu.vector_load %arg7[%swap3A_85] {strides = array<i32>} : memref<4096xf32, #tpu.memory_space<vmem>>, vector<16xf32>,
        tpu.vector_store %arg7[%swap3A_85], %gather3A_82 {strides = array<i32>} : memref<4096xf32, #tpu.memory_space<vmem>>, vector<16xf32>,
        %mul3A_87 = arith.constant 16 : i32
        %mul3A_88 = arith.muli %scan3A_13, %mul3A_87 : i32
        %add3A_89 = arith.constant 6 : i32
        %add3A_90 = arith.addi %mul3A_88, %add3A_89 : i32
        %mul3A_91 = arith.constant 16 : i32
        %mul3A_92 = arith.muli %add3A_90, %mul3A_91 : i32
        %get3A_93 = arith.index_cast %mul3A_92 : i32 to index
        %get3A_94 = tpu.vector_load %arg6[%get3A_93] {strides = array<i32>} : memref<4096xi32, #tpu.memory_space<vmem>>, vector<16xi32>,
        %gather3A_95 = tpu.vector_load_idx %arg5[%get3A_94] : memref<106496xf32, #tpu.memory_space<vmem>>[vector<16xi32>], vector<16xf32>,
        %mul3A_96 = arith.constant 16 : i32
        %mul3A_97 = arith.muli %add3A_90, %mul3A_96 : i32
        %swap3A_98 = arith.index_cast %mul3A_97 : i32 to index
        %swap3A_99 = tpu.vector_load %arg7[%swap3A_98] {strides = array<i32>} : memref<4096xf32, #tpu.memory_space<vmem>>, vector<16xf32>,
        tpu.vector_store %arg7[%swap3A_98], %gather3A_95 {strides = array<i32>} : memref<4096xf32, #tpu.memory_space<vmem>>, vector<16xf32>,
        %mul3A_100 = arith.constant 16 : i32
        %mul3A_101 = arith.muli %scan3A_13, %mul3A_100 : i32
        %add3A_102 = arith.constant 7 : i32
        %add3A_103 = arith.addi %mul3A_101, %add3A_102 : i32
        %mul3A_104 = arith.constant 16 : i32
        %mul3A_105 = arith.muli %add3A_103, %mul3A_104 : i32
        %get3A_106 = arith.index_cast %mul3A_105 : i32 to index
        %get3A_107 = tpu.vector_load %arg6[%get3A_106] {strides = array<i32>} : memref<4096xi32, #tpu.memory_space<vmem>>, vector<16xi32>,
        %gather3A_108 = tpu.vector_load_idx %arg5[%get3A_107] : memref<106496xf32, #tpu.memory_space<vmem>>[vector<16xi32>], vector<16xf32>,
        %mul3A_109 = arith.constant 16 : i32
        %mul3A_110 = arith.muli %add3A_103, %mul3A_109 : i32
        %swap3A_111 = arith.index_cast %mul3A_110 : i32 to index
        %swap3A_112 = tpu.vector_load %arg7[%swap3A_111] {strides = array<i32>} : memref<4096xf32, #tpu.memory_space<vmem>>, vector<16xf32>,
        tpu.vector_store %arg7[%swap3A_111], %gather3A_108 {strides = array<i32>} : memref<4096xf32, #tpu.memory_space<vmem>>, vector<16xf32>,
        %mul3A_113 = arith.constant 16 : i32
        %mul3A_114 = arith.muli %scan3A_13, %mul3A_113 : i32
        %add3A_115 = arith.constant 8 : i32
        %add3A_116 = arith.addi %mul3A_114, %add3A_115 : i32
        %mul3A_117 = arith.constant 16 : i32
        %mul3A_118 = arith.muli %add3A_116, %mul3A_117 : i32
        %get3A_119 = arith.index_cast %mul3A_118 : i32 to index
        %get3A_120 = tpu.vector_load %arg6[%get3A_119] {strides = array<i32>} : memref<4096xi32, #tpu.memory_space<vmem>>, vector<16xi32>,
        %gather3A_121 = tpu.vector_load_idx %arg5[%get3A_120] : memref<106496xf32, #tpu.memory_space<vmem>>[vector<16xi32>], vector<16xf32>,
        %mul3A_122 = arith.constant 16 : i32
        %mul3A_123 = arith.muli %add3A_116, %mul3A_122 : i32
        %swap3A_124 = arith.index_cast %mul3A_123 : i32 to index
        %swap3A_125 = tpu.vector_load %arg7[%swap3A_124] {strides = array<i32>} : memref<4096xf32, #tpu.memory_space<vmem>>, vector<16xf32>,
        tpu.vector_store %arg7[%swap3A_124], %gather3A_121 {strides = array<i32>} : memref<4096xf32, #tpu.memory_space<vmem>>, vector<16xf32>,
        %mul3A_126 = arith.constant 16 : i32
        %mul3A_127 = arith.muli %scan3A_13, %mul3A_126 : i32
        %add3A_128 = arith.constant 9 : i32
        %add3A_129 = arith.addi %mul3A_127, %add3A_128 : i32
        %mul3A_130 = arith.constant 16 : i32
        %mul3A_131 = arith.muli %add3A_129, %mul3A_130 : i32
        %get3A_132 = arith.index_cast %mul3A_131 : i32 to index
        %get3A_133 = tpu.vector_load %arg6[%get3A_132] {strides = array<i32>} : memref<4096xi32, #tpu.memory_space<vmem>>, vector<16xi32>,
        %gather3A_134 = tpu.vector_load_idx %arg5[%get3A_133] : memref<106496xf32, #tpu.memory_space<vmem>>[vector<16xi32>], vector<16xf32>,
        %mul3A_135 = arith.constant 16 : i32
        %mul3A_136 = arith.muli %add3A_129, %mul3A_135 : i32
        %swap3A_137 = arith.index_cast %mul3A_136 : i32 to index
        %swap3A_138 = tpu.vector_load %arg7[%swap3A_137] {strides = array<i32>} : memref<4096xf32, #tpu.memory_space<vmem>>, vector<16xf32>,
        tpu.vector_store %arg7[%swap3A_137], %gather3A_134 {strides = array<i32>} : memref<4096xf32, #tpu.memory_space<vmem>>, vector<16xf32>,
        %mul3A_139 = arith.constant 16 : i32
        %mul3A_140 = arith.muli %scan3A_13, %mul3A_139 : i32
        %add3A_141 = arith.constant 10 : i32
        %add3A_142 = arith.addi %mul3A_140, %add3A_141 : i32
        %mul3A_143 = arith.constant 16 : i32
        %mul3A_144 = arith.muli %add3A_142, %mul3A_143 : i32
        %get3A_145 = arith.index_cast %mul3A_144 : i32 to index
        %get3A_146 = tpu.vector_load %arg6[%get3A_145] {strides = array<i32>} : memref<4096xi32, #tpu.memory_space<vmem>>, vector<16xi32>,
        %gather3A_147 = tpu.vector_load_idx %arg5[%get3A_146] : memref<106496xf32, #tpu.memory_space<vmem>>[vector<16xi32>], vector<16xf32>,
        %mul3A_148 = arith.constant 16 : i32
        %mul3A_149 = arith.muli %add3A_142, %mul3A_148 : i32
        %swap3A_150 = arith.index_cast %mul3A_149 : i32 to index
        %swap3A_151 = tpu.vector_load %arg7[%swap3A_150] {strides = array<i32>} : memref<4096xf32, #tpu.memory_space<vmem>>, vector<16xf32>,
        tpu.vector_store %arg7[%swap3A_150], %gather3A_147 {strides = array<i32>} : memref<4096xf32, #tpu.memory_space<vmem>>, vector<16xf32>,
        %mul3A_152 = arith.constant 16 : i32
        %mul3A_153 = arith.muli %scan3A_13, %mul3A_152 : i32
        %add3A_154 = arith.constant 11 : i32
        %add3A_155 = arith.addi %mul3A_153, %add3A_154 : i32
        %mul3A_156 = arith.constant 16 : i32
        %mul3A_157 = arith.muli %add3A_155, %mul3A_156 : i32
        %get3A_158 = arith.index_cast %mul3A_157 : i32 to index
        %get3A_159 = tpu.vector_load %arg6[%get3A_158] {strides = array<i32>} : memref<4096xi32, #tpu.memory_space<vmem>>, vector<16xi32>,
        %gather3A_160 = tpu.vector_load_idx %arg5[%get3A_159] : memref<106496xf32, #tpu.memory_space<vmem>>[vector<16xi32>], vector<16xf32>,
        %mul3A_161 = arith.constant 16 : i32
        %mul3A_162 = arith.muli %add3A_155, %mul3A_161 : i32
        %swap3A_163 = arith.index_cast %mul3A_162 : i32 to index
        %swap3A_164 = tpu.vector_load %arg7[%swap3A_163] {strides = array<i32>} : memref<4096xf32, #tpu.memory_space<vmem>>, vector<16xf32>,
        tpu.vector_store %arg7[%swap3A_163], %gather3A_160 {strides = array<i32>} : memref<4096xf32, #tpu.memory_space<vmem>>, vector<16xf32>,
        %mul3A_165 = arith.constant 16 : i32
        %mul3A_166 = arith.muli %scan3A_13, %mul3A_165 : i32
        %add3A_167 = arith.constant 12 : i32
        %add3A_168 = arith.addi %mul3A_166, %add3A_167 : i32
        %mul3A_169 = arith.constant 16 : i32
        %mul3A_170 = arith.muli %add3A_168, %mul3A_169 : i32
        %get3A_171 = arith.index_cast %mul3A_170 : i32 to index
        %get3A_172 = tpu.vector_load %arg6[%get3A_171] {strides = array<i32>} : memref<4096xi32, #tpu.memory_space<vmem>>, vector<16xi32>,
        %gather3A_173 = tpu.vector_load_idx %arg5[%get3A_172] : memref<106496xf32, #tpu.memory_space<vmem>>[vector<16xi32>], vector<16xf32>,
        %mul3A_174 = arith.constant 16 : i32
        %mul3A_175 = arith.muli %add3A_168, %mul3A_174 : i32
        %swap3A_176 = arith.index_cast %mul3A_175 : i32 to index
        %swap3A_177 = tpu.vector_load %arg7[%swap3A_176] {strides = array<i32>} : memref<4096xf32, #tpu.memory_space<vmem>>, vector<16xf32>,
        tpu.vector_store %arg7[%swap3A_176], %gather3A_173 {strides = array<i32>} : memref<4096xf32, #tpu.memory_space<vmem>>, vector<16xf32>,
        %mul3A_178 = arith.constant 16 : i32
        %mul3A_179 = arith.muli %scan3A_13, %mul3A_178 : i32
        %add3A_180 = arith.constant 13 : i32
        %add3A_181 = arith.addi %mul3A_179, %add3A_180 : i32
        %mul3A_182 = arith.constant 16 : i32
        %mul3A_183 = arith.muli %add3A_181, %mul3A_182 : i32
        %get3A_184 = arith.index_cast %mul3A_183 : i32 to index
        %get3A_185 = tpu.vector_load %arg6[%get3A_184] {strides = array<i32>} : memref<4096xi32, #tpu.memory_space<vmem>>, vector<16xi32>,
        %gather3A_186 = tpu.vector_load_idx %arg5[%get3A_185] : memref<106496xf32, #tpu.memory_space<vmem>>[vector<16xi32>], vector<16xf32>,
        %mul3A_187 = arith.constant 16 : i32
        %mul3A_188 = arith.muli %add3A_181, %mul3A_187 : i32
        %swap3A_189 = arith.index_cast %mul3A_188 : i32 to index
        %swap3A_190 = tpu.vector_load %arg7[%swap3A_189] {strides = array<i32>} : memref<4096xf32, #tpu.memory_space<vmem>>, vector<16xf32>,
        tpu.vector_store %arg7[%swap3A_189], %gather3A_186 {strides = array<i32>} : memref<4096xf32, #tpu.memory_space<vmem>>, vector<16xf32>,
        %mul3A_191 = arith.constant 16 : i32
        %mul3A_192 = arith.muli %scan3A_13, %mul3A_191 : i32
        %add3A_193 = arith.constant 14 : i32
        %add3A_194 = arith.addi %mul3A_192, %add3A_193 : i32
        %mul3A_195 = arith.constant 16 : i32
        %mul3A_196 = arith.muli %add3A_194, %mul3A_195 : i32
        %get3A_197 = arith.index_cast %mul3A_196 : i32 to index
        %get3A_198 = tpu.vector_load %arg6[%get3A_197] {strides = array<i32>} : memref<4096xi32, #tpu.memory_space<vmem>>, vector<16xi32>,
        %gather3A_199 = tpu.vector_load_idx %arg5[%get3A_198] : memref<106496xf32, #tpu.memory_space<vmem>>[vector<16xi32>], vector<16xf32>,
        %mul3A_200 = arith.constant 16 : i32
        %mul3A_201 = arith.muli %add3A_194, %mul3A_200 : i32
        %swap3A_202 = arith.index_cast %mul3A_201 : i32 to index
        %swap3A_203 = tpu.vector_load %arg7[%swap3A_202] {strides = array<i32>} : memref<4096xf32, #tpu.memory_space<vmem>>, vector<16xf32>,
        tpu.vector_store %arg7[%swap3A_202], %gather3A_199 {strides = array<i32>} : memref<4096xf32, #tpu.memory_space<vmem>>, vector<16xf32>,
        %mul3A_204 = arith.constant 16 : i32
        %mul3A_205 = arith.muli %scan3A_13, %mul3A_204 : i32
        %add3A_206 = arith.constant 15 : i32
        %add3A_207 = arith.addi %mul3A_205, %add3A_206 : i32
        %mul3A_208 = arith.constant 16 : i32
        %mul3A_209 = arith.muli %add3A_207, %mul3A_208 : i32
        %get3A_210 = arith.index_cast %mul3A_209 : i32 to index
        %get3A_211 = tpu.vector_load %arg6[%get3A_210] {strides = array<i32>} : memref<4096xi32, #tpu.memory_space<vmem>>, vector<16xi32>,
        %gather3A_212 = tpu.vector_load_idx %arg5[%get3A_211] : memref<106496xf32, #tpu.memory_space<vmem>>[vector<16xi32>], vector<16xf32>,
        %mul3A_213 = arith.constant 16 : i32
        %mul3A_214 = arith.muli %add3A_207, %mul3A_213 : i32
        %swap3A_215 = arith.index_cast %mul3A_214 : i32 to index
        %swap3A_216 = tpu.vector_load %arg7[%swap3A_215] {strides = array<i32>} : memref<4096xf32, #tpu.memory_space<vmem>>, vector<16xf32>,
        tpu.vector_store %arg7[%swap3A_215], %gather3A_212 {strides = array<i32>} : memref<4096xf32, #tpu.memory_space<vmem>>, vector<16xf32>,
      }
      %scan3A_6 = arith.constant 16 : i32
      "tpu.region"() ({
        %run_scoped3A = tpu.sem_alloc : memref<!tpu.dma_semaphore, #tpu.memory_space<semaphore_mem>>
        %dma_start3A = arith.constant 0 : i32
        %dma_start3A_13 = tpu.memref_slice %arg4[%arg1, %arg0, %dma_start3A] : memref<10x2x8192xf32, #tpu.memory_space<hbm>> -> memref<1x1x4096xf32, #tpu.memory_space<hbm>>
        %dma_start3A_14 = tpu.memref_squeeze %dma_start3A_13 : memref<1x1x4096xf32, #tpu.memory_space<hbm>> -> memref<4096xf32, #tpu.memory_space<hbm>>
        %dma_start3A_15 = arith.constant 0 : i32
        %dma_start3A_16 = tpu.memref_slice %arg4[%arg1, %arg0, %dma_start3A_15] : memref<10x2x8192xf32, #tpu.memory_space<hbm>> -> memref<1x1x4096xf32, #tpu.memory_space<hbm>>
        %dma_start3A_17 = tpu.memref_squeeze %dma_start3A_16 : memref<1x1x4096xf32, #tpu.memory_space<hbm>> -> memref<4096xf32, #tpu.memory_space<hbm>>
        tpu.enqueue_dma source(%arg7 : memref<4096xf32, #tpu.memory_space<vmem>>) target(%dma_start3A_17 : memref<4096xf32, #tpu.memory_space<hbm>>) target_semaphore(%run_scoped3A : memref<!tpu.dma_semaphore, #tpu.memory_space<semaphore_mem>>)
        %dma_wait3A = arith.constant 0 : i32
        %dma_wait3A_18 = tpu.memref_slice %arg4[%arg1, %arg0, %dma_wait3A] : memref<10x2x8192xf32, #tpu.memory_space<hbm>> -> memref<1x1x4096xf32, #tpu.memory_space<hbm>>
        %dma_wait3A_19 = tpu.memref_squeeze %dma_wait3A_18 : memref<1x1x4096xf32, #tpu.memory_space<hbm>> -> memref<4096xf32, #tpu.memory_space<hbm>>
        %dma_wait3A_20 = arith.constant 0 : i32
        %dma_wait3A_21 = tpu.memref_slice %arg4[%arg1, %arg0, %dma_wait3A_20] : memref<10x2x8192xf32, #tpu.memory_space<hbm>> -> memref<1x1x4096xf32, #tpu.memory_space<hbm>>
        %dma_wait3A_22 = tpu.memref_squeeze %dma_wait3A_21 : memref<1x1x4096xf32, #tpu.memory_space<hbm>> -> memref<4096xf32, #tpu.memory_space<hbm>>
        tpu.wait_dma2 semaphore(%run_scoped3A : memref<!tpu.dma_semaphore, #tpu.memory_space<semaphore_mem>>) src(%arg7 : memref<4096xf32, #tpu.memory_space<vmem>>) dst(%dma_wait3A_22 : memref<4096xf32, #tpu.memory_space<hbm>>)
        tpu.yield
      }) : () -> ()
      "tpu.region"() ({
        %run_scoped3A = tpu.sem_alloc : memref<!tpu.dma_semaphore, #tpu.memory_space<semaphore_mem>>
        %dma_start3A = arith.constant 4096 : i32
        %dma_start3A_13 = tpu.memref_slice %arg3[%arg1, %arg0, %dma_start3A] : memref<10x2x8192xi32, #tpu.memory_space<hbm>> -> memref<1x1x4096xi32, #tpu.memory_space<hbm>>
        %dma_start3A_14 = tpu.memref_squeeze %dma_start3A_13 : memref<1x1x4096xi32, #tpu.memory_space<hbm>> -> memref<4096xi32, #tpu.memory_space<hbm>>
        %dma_start3A_15 = arith.constant 4096 : i32
        %dma_start3A_16 = tpu.memref_slice %arg3[%arg1, %arg0, %dma_start3A_15] : memref<10x2x8192xi32, #tpu.memory_space<hbm>> -> memref<1x1x4096xi32, #tpu.memory_space<hbm>>
        %dma_start3A_17 = tpu.memref_squeeze %dma_start3A_16 : memref<1x1x4096xi32, #tpu.memory_space<hbm>> -> memref<4096xi32, #tpu.memory_space<hbm>>
        tpu.enqueue_dma source(%dma_start3A_17 : memref<4096xi32, #tpu.memory_space<hbm>>) target(%arg6 : memref<4096xi32, #tpu.memory_space<vmem>>) target_semaphore(%run_scoped3A : memref<!tpu.dma_semaphore, #tpu.memory_space<semaphore_mem>>)
        %dma_wait3A = arith.constant 4096 : i32
        %dma_wait3A_18 = tpu.memref_slice %arg3[%arg1, %arg0, %dma_wait3A] : memref<10x2x8192xi32, #tpu.memory_space<hbm>> -> memref<1x1x4096xi32, #tpu.memory_space<hbm>>
        %dma_wait3A_19 = tpu.memref_squeeze %dma_wait3A_18 : memref<1x1x4096xi32, #tpu.memory_space<hbm>> -> memref<4096xi32, #tpu.memory_space<hbm>>
        %dma_wait3A_20 = arith.constant 4096 : i32
        %dma_wait3A_21 = tpu.memref_slice %arg3[%arg1, %arg0, %dma_wait3A_20] : memref<10x2x8192xi32, #tpu.memory_space<hbm>> -> memref<1x1x4096xi32, #tpu.memory_space<hbm>>
        %dma_wait3A_22 = tpu.memref_squeeze %dma_wait3A_21 : memref<1x1x4096xi32, #tpu.memory_space<hbm>> -> memref<4096xi32, #tpu.memory_space<hbm>>
        tpu.wait_dma2 semaphore(%run_scoped3A : memref<!tpu.dma_semaphore, #tpu.memory_space<semaphore_mem>>) src(%dma_wait3A_22 : memref<4096xi32, #tpu.memory_space<hbm>>) dst(%arg6 : memref<4096xi32, #tpu.memory_space<vmem>>)
        tpu.yield
      }) : () -> ()
      %scan3A_7 = arith.constant 0 : i32
      %scan3A_8 = arith.constant 0 : i32
      %scan3A_9 = arith.constant 16 : i32
      %scan3A_10 = arith.addi %scan3A_8, %scan3A_9 : i32
      %scan3A_11 = arith.constant 1 : i32
      scf.for %scan3A_13 = %scan3A_8 to %scan3A_10 step %scan3A_11  : i32 {
        %mul3A = arith.constant 16 : i32
        %mul3A_14 = arith.muli %scan3A_13, %mul3A : i32
        %add3A = arith.constant 0 : i32
        %add3A_15 = arith.addi %mul3A_14, %add3A : i32
        %mul3A_16 = arith.constant 16 : i32
        %mul3A_17 = arith.muli %add3A_15, %mul3A_16 : i32
        %get3A = arith.index_cast %mul3A_17 : i32 to index
        %get3A_18 = tpu.vector_load %arg6[%get3A] {strides = array<i32>} : memref<4096xi32, #tpu.memory_space<vmem>>, vector<16xi32>,
        %gather3A = tpu.vector_load_idx %arg5[%get3A_18] : memref<106496xf32, #tpu.memory_space<vmem>>[vector<16xi32>], vector<16xf32>,
        %mul3A_19 = arith.constant 16 : i32
        %mul3A_20 = arith.muli %add3A_15, %mul3A_19 : i32
        %swap3A = arith.index_cast %mul3A_20 : i32 to index
        %swap3A_21 = tpu.vector_load %arg7[%swap3A] {strides = array<i32>} : memref<4096xf32, #tpu.memory_space<vmem>>, vector<16xf32>,
        tpu.vector_store %arg7[%swap3A], %gather3A {strides = array<i32>} : memref<4096xf32, #tpu.memory_space<vmem>>, vector<16xf32>,
        %mul3A_22 = arith.constant 16 : i32
        %mul3A_23 = arith.muli %scan3A_13, %mul3A_22 : i32
        %add3A_24 = arith.constant 1 : i32
        %add3A_25 = arith.addi %mul3A_23, %add3A_24 : i32
        %mul3A_26 = arith.constant 16 : i32
        %mul3A_27 = arith.muli %add3A_25, %mul3A_26 : i32
        %get3A_28 = arith.index_cast %mul3A_27 : i32 to index
        %get3A_29 = tpu.vector_load %arg6[%get3A_28] {strides = array<i32>} : memref<4096xi32, #tpu.memory_space<vmem>>, vector<16xi32>,
        %gather3A_30 = tpu.vector_load_idx %arg5[%get3A_29] : memref<106496xf32, #tpu.memory_space<vmem>>[vector<16xi32>], vector<16xf32>,
        %mul3A_31 = arith.constant 16 : i32
        %mul3A_32 = arith.muli %add3A_25, %mul3A_31 : i32
        %swap3A_33 = arith.index_cast %mul3A_32 : i32 to index
        %swap3A_34 = tpu.vector_load %arg7[%swap3A_33] {strides = array<i32>} : memref<4096xf32, #tpu.memory_space<vmem>>, vector<16xf32>,
        tpu.vector_store %arg7[%swap3A_33], %gather3A_30 {strides = array<i32>} : memref<4096xf32, #tpu.memory_space<vmem>>, vector<16xf32>,
        %mul3A_35 = arith.constant 16 : i32
        %mul3A_36 = arith.muli %scan3A_13, %mul3A_35 : i32
        %add3A_37 = arith.constant 2 : i32
        %add3A_38 = arith.addi %mul3A_36, %add3A_37 : i32
        %mul3A_39 = arith.constant 16 : i32
        %mul3A_40 = arith.muli %add3A_38, %mul3A_39 : i32
        %get3A_41 = arith.index_cast %mul3A_40 : i32 to index
        %get3A_42 = tpu.vector_load %arg6[%get3A_41] {strides = array<i32>} : memref<4096xi32, #tpu.memory_space<vmem>>, vector<16xi32>,
        %gather3A_43 = tpu.vector_load_idx %arg5[%get3A_42] : memref<106496xf32, #tpu.memory_space<vmem>>[vector<16xi32>], vector<16xf32>,
        %mul3A_44 = arith.constant 16 : i32
        %mul3A_45 = arith.muli %add3A_38, %mul3A_44 : i32
        %swap3A_46 = arith.index_cast %mul3A_45 : i32 to index
        %swap3A_47 = tpu.vector_load %arg7[%swap3A_46] {strides = array<i32>} : memref<4096xf32, #tpu.memory_space<vmem>>, vector<16xf32>,
        tpu.vector_store %arg7[%swap3A_46], %gather3A_43 {strides = array<i32>} : memref<4096xf32, #tpu.memory_space<vmem>>, vector<16xf32>,
        %mul3A_48 = arith.constant 16 : i32
        %mul3A_49 = arith.muli %scan3A_13, %mul3A_48 : i32
        %add3A_50 = arith.constant 3 : i32
        %add3A_51 = arith.addi %mul3A_49, %add3A_50 : i32
        %mul3A_52 = arith.constant 16 : i32
        %mul3A_53 = arith.muli %add3A_51, %mul3A_52 : i32
        %get3A_54 = arith.index_cast %mul3A_53 : i32 to index
        %get3A_55 = tpu.vector_load %arg6[%get3A_54] {strides = array<i32>} : memref<4096xi32, #tpu.memory_space<vmem>>, vector<16xi32>,
        %gather3A_56 = tpu.vector_load_idx %arg5[%get3A_55] : memref<106496xf32, #tpu.memory_space<vmem>>[vector<16xi32>], vector<16xf32>,
        %mul3A_57 = arith.constant 16 : i32
        %mul3A_58 = arith.muli %add3A_51, %mul3A_57 : i32
        %swap3A_59 = arith.index_cast %mul3A_58 : i32 to index
        %swap3A_60 = tpu.vector_load %arg7[%swap3A_59] {strides = array<i32>} : memref<4096xf32, #tpu.memory_space<vmem>>, vector<16xf32>,
        tpu.vector_store %arg7[%swap3A_59], %gather3A_56 {strides = array<i32>} : memref<4096xf32, #tpu.memory_space<vmem>>, vector<16xf32>,
        %mul3A_61 = arith.constant 16 : i32
        %mul3A_62 = arith.muli %scan3A_13, %mul3A_61 : i32
        %add3A_63 = arith.constant 4 : i32
        %add3A_64 = arith.addi %mul3A_62, %add3A_63 : i32
        %mul3A_65 = arith.constant 16 : i32
        %mul3A_66 = arith.muli %add3A_64, %mul3A_65 : i32
        %get3A_67 = arith.index_cast %mul3A_66 : i32 to index
        %get3A_68 = tpu.vector_load %arg6[%get3A_67] {strides = array<i32>} : memref<4096xi32, #tpu.memory_space<vmem>>, vector<16xi32>,
        %gather3A_69 = tpu.vector_load_idx %arg5[%get3A_68] : memref<106496xf32, #tpu.memory_space<vmem>>[vector<16xi32>], vector<16xf32>,
        %mul3A_70 = arith.constant 16 : i32
        %mul3A_71 = arith.muli %add3A_64, %mul3A_70 : i32
        %swap3A_72 = arith.index_cast %mul3A_71 : i32 to index
        %swap3A_73 = tpu.vector_load %arg7[%swap3A_72] {strides = array<i32>} : memref<4096xf32, #tpu.memory_space<vmem>>, vector<16xf32>,
        tpu.vector_store %arg7[%swap3A_72], %gather3A_69 {strides = array<i32>} : memref<4096xf32, #tpu.memory_space<vmem>>, vector<16xf32>,
        %mul3A_74 = arith.constant 16 : i32
        %mul3A_75 = arith.muli %scan3A_13, %mul3A_74 : i32
        %add3A_76 = arith.constant 5 : i32
        %add3A_77 = arith.addi %mul3A_75, %add3A_76 : i32
        %mul3A_78 = arith.constant 16 : i32
        %mul3A_79 = arith.muli %add3A_77, %mul3A_78 : i32
        %get3A_80 = arith.index_cast %mul3A_79 : i32 to index
        %get3A_81 = tpu.vector_load %arg6[%get3A_80] {strides = array<i32>} : memref<4096xi32, #tpu.memory_space<vmem>>, vector<16xi32>,
        %gather3A_82 = tpu.vector_load_idx %arg5[%get3A_81] : memref<106496xf32, #tpu.memory_space<vmem>>[vector<16xi32>], vector<16xf32>,
        %mul3A_83 = arith.constant 16 : i32
        %mul3A_84 = arith.muli %add3A_77, %mul3A_83 : i32
        %swap3A_85 = arith.index_cast %mul3A_84 : i32 to index
        %swap3A_86 = tpu.vector_load %arg7[%swap3A_85] {strides = array<i32>} : memref<4096xf32, #tpu.memory_space<vmem>>, vector<16xf32>,
        tpu.vector_store %arg7[%swap3A_85], %gather3A_82 {strides = array<i32>} : memref<4096xf32, #tpu.memory_space<vmem>>, vector<16xf32>,
        %mul3A_87 = arith.constant 16 : i32
        %mul3A_88 = arith.muli %scan3A_13, %mul3A_87 : i32
        %add3A_89 = arith.constant 6 : i32
        %add3A_90 = arith.addi %mul3A_88, %add3A_89 : i32
        %mul3A_91 = arith.constant 16 : i32
        %mul3A_92 = arith.muli %add3A_90, %mul3A_91 : i32
        %get3A_93 = arith.index_cast %mul3A_92 : i32 to index
        %get3A_94 = tpu.vector_load %arg6[%get3A_93] {strides = array<i32>} : memref<4096xi32, #tpu.memory_space<vmem>>, vector<16xi32>,
        %gather3A_95 = tpu.vector_load_idx %arg5[%get3A_94] : memref<106496xf32, #tpu.memory_space<vmem>>[vector<16xi32>], vector<16xf32>,
        %mul3A_96 = arith.constant 16 : i32
        %mul3A_97 = arith.muli %add3A_90, %mul3A_96 : i32
        %swap3A_98 = arith.index_cast %mul3A_97 : i32 to index
        %swap3A_99 = tpu.vector_load %arg7[%swap3A_98] {strides = array<i32>} : memref<4096xf32, #tpu.memory_space<vmem>>, vector<16xf32>,
        tpu.vector_store %arg7[%swap3A_98], %gather3A_95 {strides = array<i32>} : memref<4096xf32, #tpu.memory_space<vmem>>, vector<16xf32>,
        %mul3A_100 = arith.constant 16 : i32
        %mul3A_101 = arith.muli %scan3A_13, %mul3A_100 : i32
        %add3A_102 = arith.constant 7 : i32
        %add3A_103 = arith.addi %mul3A_101, %add3A_102 : i32
        %mul3A_104 = arith.constant 16 : i32
        %mul3A_105 = arith.muli %add3A_103, %mul3A_104 : i32
        %get3A_106 = arith.index_cast %mul3A_105 : i32 to index
        %get3A_107 = tpu.vector_load %arg6[%get3A_106] {strides = array<i32>} : memref<4096xi32, #tpu.memory_space<vmem>>, vector<16xi32>,
        %gather3A_108 = tpu.vector_load_idx %arg5[%get3A_107] : memref<106496xf32, #tpu.memory_space<vmem>>[vector<16xi32>], vector<16xf32>,
        %mul3A_109 = arith.constant 16 : i32
        %mul3A_110 = arith.muli %add3A_103, %mul3A_109 : i32
        %swap3A_111 = arith.index_cast %mul3A_110 : i32 to index
        %swap3A_112 = tpu.vector_load %arg7[%swap3A_111] {strides = array<i32>} : memref<4096xf32, #tpu.memory_space<vmem>>, vector<16xf32>,
        tpu.vector_store %arg7[%swap3A_111], %gather3A_108 {strides = array<i32>} : memref<4096xf32, #tpu.memory_space<vmem>>, vector<16xf32>,
        %mul3A_113 = arith.constant 16 : i32
        %mul3A_114 = arith.muli %scan3A_13, %mul3A_113 : i32
        %add3A_115 = arith.constant 8 : i32
        %add3A_116 = arith.addi %mul3A_114, %add3A_115 : i32
        %mul3A_117 = arith.constant 16 : i32
        %mul3A_118 = arith.muli %add3A_116, %mul3A_117 : i32
        %get3A_119 = arith.index_cast %mul3A_118 : i32 to index
        %get3A_120 = tpu.vector_load %arg6[%get3A_119] {strides = array<i32>} : memref<4096xi32, #tpu.memory_space<vmem>>, vector<16xi32>,
        %gather3A_121 = tpu.vector_load_idx %arg5[%get3A_120] : memref<106496xf32, #tpu.memory_space<vmem>>[vector<16xi32>], vector<16xf32>,
        %mul3A_122 = arith.constant 16 : i32
        %mul3A_123 = arith.muli %add3A_116, %mul3A_122 : i32
        %swap3A_124 = arith.index_cast %mul3A_123 : i32 to index
        %swap3A_125 = tpu.vector_load %arg7[%swap3A_124] {strides = array<i32>} : memref<4096xf32, #tpu.memory_space<vmem>>, vector<16xf32>,
        tpu.vector_store %arg7[%swap3A_124], %gather3A_121 {strides = array<i32>} : memref<4096xf32, #tpu.memory_space<vmem>>, vector<16xf32>,
        %mul3A_126 = arith.constant 16 : i32
        %mul3A_127 = arith.muli %scan3A_13, %mul3A_126 : i32
        %add3A_128 = arith.constant 9 : i32
        %add3A_129 = arith.addi %mul3A_127, %add3A_128 : i32
        %mul3A_130 = arith.constant 16 : i32
        %mul3A_131 = arith.muli %add3A_129, %mul3A_130 : i32
        %get3A_132 = arith.index_cast %mul3A_131 : i32 to index
        %get3A_133 = tpu.vector_load %arg6[%get3A_132] {strides = array<i32>} : memref<4096xi32, #tpu.memory_space<vmem>>, vector<16xi32>,
        %gather3A_134 = tpu.vector_load_idx %arg5[%get3A_133] : memref<106496xf32, #tpu.memory_space<vmem>>[vector<16xi32>], vector<16xf32>,
        %mul3A_135 = arith.constant 16 : i32
        %mul3A_136 = arith.muli %add3A_129, %mul3A_135 : i32
        %swap3A_137 = arith.index_cast %mul3A_136 : i32 to index
        %swap3A_138 = tpu.vector_load %arg7[%swap3A_137] {strides = array<i32>} : memref<4096xf32, #tpu.memory_space<vmem>>, vector<16xf32>,
        tpu.vector_store %arg7[%swap3A_137], %gather3A_134 {strides = array<i32>} : memref<4096xf32, #tpu.memory_space<vmem>>, vector<16xf32>,
        %mul3A_139 = arith.constant 16 : i32
        %mul3A_140 = arith.muli %scan3A_13, %mul3A_139 : i32
        %add3A_141 = arith.constant 10 : i32
        %add3A_142 = arith.addi %mul3A_140, %add3A_141 : i32
        %mul3A_143 = arith.constant 16 : i32
        %mul3A_144 = arith.muli %add3A_142, %mul3A_143 : i32
        %get3A_145 = arith.index_cast %mul3A_144 : i32 to index
        %get3A_146 = tpu.vector_load %arg6[%get3A_145] {strides = array<i32>} : memref<4096xi32, #tpu.memory_space<vmem>>, vector<16xi32>,
        %gather3A_147 = tpu.vector_load_idx %arg5[%get3A_146] : memref<106496xf32, #tpu.memory_space<vmem>>[vector<16xi32>], vector<16xf32>,
        %mul3A_148 = arith.constant 16 : i32
        %mul3A_149 = arith.muli %add3A_142, %mul3A_148 : i32
        %swap3A_150 = arith.index_cast %mul3A_149 : i32 to index
        %swap3A_151 = tpu.vector_load %arg7[%swap3A_150] {strides = array<i32>} : memref<4096xf32, #tpu.memory_space<vmem>>, vector<16xf32>,
        tpu.vector_store %arg7[%swap3A_150], %gather3A_147 {strides = array<i32>} : memref<4096xf32, #tpu.memory_space<vmem>>, vector<16xf32>,
        %mul3A_152 = arith.constant 16 : i32
        %mul3A_153 = arith.muli %scan3A_13, %mul3A_152 : i32
        %add3A_154 = arith.constant 11 : i32
        %add3A_155 = arith.addi %mul3A_153, %add3A_154 : i32
        %mul3A_156 = arith.constant 16 : i32
        %mul3A_157 = arith.muli %add3A_155, %mul3A_156 : i32
        %get3A_158 = arith.index_cast %mul3A_157 : i32 to index
        %get3A_159 = tpu.vector_load %arg6[%get3A_158] {strides = array<i32>} : memref<4096xi32, #tpu.memory_space<vmem>>, vector<16xi32>,
        %gather3A_160 = tpu.vector_load_idx %arg5[%get3A_159] : memref<106496xf32, #tpu.memory_space<vmem>>[vector<16xi32>], vector<16xf32>,
        %mul3A_161 = arith.constant 16 : i32
        %mul3A_162 = arith.muli %add3A_155, %mul3A_161 : i32
        %swap3A_163 = arith.index_cast %mul3A_162 : i32 to index
        %swap3A_164 = tpu.vector_load %arg7[%swap3A_163] {strides = array<i32>} : memref<4096xf32, #tpu.memory_space<vmem>>, vector<16xf32>,
        tpu.vector_store %arg7[%swap3A_163], %gather3A_160 {strides = array<i32>} : memref<4096xf32, #tpu.memory_space<vmem>>, vector<16xf32>,
        %mul3A_165 = arith.constant 16 : i32
        %mul3A_166 = arith.muli %scan3A_13, %mul3A_165 : i32
        %add3A_167 = arith.constant 12 : i32
        %add3A_168 = arith.addi %mul3A_166, %add3A_167 : i32
        %mul3A_169 = arith.constant 16 : i32
        %mul3A_170 = arith.muli %add3A_168, %mul3A_169 : i32
        %get3A_171 = arith.index_cast %mul3A_170 : i32 to index
        %get3A_172 = tpu.vector_load %arg6[%get3A_171] {strides = array<i32>} : memref<4096xi32, #tpu.memory_space<vmem>>, vector<16xi32>,
        %gather3A_173 = tpu.vector_load_idx %arg5[%get3A_172] : memref<106496xf32, #tpu.memory_space<vmem>>[vector<16xi32>], vector<16xf32>,
        %mul3A_174 = arith.constant 16 : i32
        %mul3A_175 = arith.muli %add3A_168, %mul3A_174 : i32
        %swap3A_176 = arith.index_cast %mul3A_175 : i32 to index
        %swap3A_177 = tpu.vector_load %arg7[%swap3A_176] {strides = array<i32>} : memref<4096xf32, #tpu.memory_space<vmem>>, vector<16xf32>,
        tpu.vector_store %arg7[%swap3A_176], %gather3A_173 {strides = array<i32>} : memref<4096xf32, #tpu.memory_space<vmem>>, vector<16xf32>,
        %mul3A_178 = arith.constant 16 : i32
        %mul3A_179 = arith.muli %scan3A_13, %mul3A_178 : i32
        %add3A_180 = arith.constant 13 : i32
        %add3A_181 = arith.addi %mul3A_179, %add3A_180 : i32
        %mul3A_182 = arith.constant 16 : i32
        %mul3A_183 = arith.muli %add3A_181, %mul3A_182 : i32
        %get3A_184 = arith.index_cast %mul3A_183 : i32 to index
        %get3A_185 = tpu.vector_load %arg6[%get3A_184] {strides = array<i32>} : memref<4096xi32, #tpu.memory_space<vmem>>, vector<16xi32>,
        %gather3A_186 = tpu.vector_load_idx %arg5[%get3A_185] : memref<106496xf32, #tpu.memory_space<vmem>>[vector<16xi32>], vector<16xf32>,
        %mul3A_187 = arith.constant 16 : i32
        %mul3A_188 = arith.muli %add3A_181, %mul3A_187 : i32
        %swap3A_189 = arith.index_cast %mul3A_188 : i32 to index
        %swap3A_190 = tpu.vector_load %arg7[%swap3A_189] {strides = array<i32>} : memref<4096xf32, #tpu.memory_space<vmem>>, vector<16xf32>,
        tpu.vector_store %arg7[%swap3A_189], %gather3A_186 {strides = array<i32>} : memref<4096xf32, #tpu.memory_space<vmem>>, vector<16xf32>,
        %mul3A_191 = arith.constant 16 : i32
        %mul3A_192 = arith.muli %scan3A_13, %mul3A_191 : i32
        %add3A_193 = arith.constant 14 : i32
        %add3A_194 = arith.addi %mul3A_192, %add3A_193 : i32
        %mul3A_195 = arith.constant 16 : i32
        %mul3A_196 = arith.muli %add3A_194, %mul3A_195 : i32
        %get3A_197 = arith.index_cast %mul3A_196 : i32 to index
        %get3A_198 = tpu.vector_load %arg6[%get3A_197] {strides = array<i32>} : memref<4096xi32, #tpu.memory_space<vmem>>, vector<16xi32>,
        %gather3A_199 = tpu.vector_load_idx %arg5[%get3A_198] : memref<106496xf32, #tpu.memory_space<vmem>>[vector<16xi32>], vector<16xf32>,
        %mul3A_200 = arith.constant 16 : i32
        %mul3A_201 = arith.muli %add3A_194, %mul3A_200 : i32
        %swap3A_202 = arith.index_cast %mul3A_201 : i32 to index
        %swap3A_203 = tpu.vector_load %arg7[%swap3A_202] {strides = array<i32>} : memref<4096xf32, #tpu.memory_space<vmem>>, vector<16xf32>,
        tpu.vector_store %arg7[%swap3A_202], %gather3A_199 {strides = array<i32>} : memref<4096xf32, #tpu.memory_space<vmem>>, vector<16xf32>,
        %mul3A_204 = arith.constant 16 : i32
        %mul3A_205 = arith.muli %scan3A_13, %mul3A_204 : i32
        %add3A_206 = arith.constant 15 : i32
        %add3A_207 = arith.addi %mul3A_205, %add3A_206 : i32
        %mul3A_208 = arith.constant 16 : i32
        %mul3A_209 = arith.muli %add3A_207, %mul3A_208 : i32
        %get3A_210 = arith.index_cast %mul3A_209 : i32 to index
        %get3A_211 = tpu.vector_load %arg6[%get3A_210] {strides = array<i32>} : memref<4096xi32, #tpu.memory_space<vmem>>, vector<16xi32>,
        %gather3A_212 = tpu.vector_load_idx %arg5[%get3A_211] : memref<106496xf32, #tpu.memory_space<vmem>>[vector<16xi32>], vector<16xf32>,
        %mul3A_213 = arith.constant 16 : i32
        %mul3A_214 = arith.muli %add3A_207, %mul3A_213 : i32
        %swap3A_215 = arith.index_cast %mul3A_214 : i32 to index
        %swap3A_216 = tpu.vector_load %arg7[%swap3A_215] {strides = array<i32>} : memref<4096xf32, #tpu.memory_space<vmem>>, vector<16xf32>,
        tpu.vector_store %arg7[%swap3A_215], %gather3A_212 {strides = array<i32>} : memref<4096xf32, #tpu.memory_space<vmem>>, vector<16xf32>,
      }
      %scan3A_12 = arith.constant 16 : i32
      "tpu.region"() ({
        %run_scoped3A = tpu.sem_alloc : memref<!tpu.dma_semaphore, #tpu.memory_space<semaphore_mem>>
        %dma_start3A = arith.constant 4096 : i32
        %dma_start3A_13 = tpu.memref_slice %arg4[%arg1, %arg0, %dma_start3A] : memref<10x2x8192xf32, #tpu.memory_space<hbm>> -> memref<1x1x4096xf32, #tpu.memory_space<hbm>>
        %dma_start3A_14 = tpu.memref_squeeze %dma_start3A_13 : memref<1x1x4096xf32, #tpu.memory_space<hbm>> -> memref<4096xf32, #tpu.memory_space<hbm>>
        %dma_start3A_15 = arith.constant 4096 : i32
        %dma_start3A_16 = tpu.memref_slice %arg4[%arg1, %arg0, %dma_start3A_15] : memref<10x2x8192xf32, #tpu.memory_space<hbm>> -> memref<1x1x4096xf32, #tpu.memory_space<hbm>>
        %dma_start3A_17 = tpu.memref_squeeze %dma_start3A_16 : memref<1x1x4096xf32, #tpu.memory_space<hbm>> -> memref<4096xf32, #tpu.memory_space<hbm>>
        tpu.enqueue_dma source(%arg7 : memref<4096xf32, #tpu.memory_space<vmem>>) target(%dma_start3A_17 : memref<4096xf32, #tpu.memory_space<hbm>>) target_semaphore(%run_scoped3A : memref<!tpu.dma_semaphore, #tpu.memory_space<semaphore_mem>>)
        %dma_wait3A = arith.constant 4096 : i32
        %dma_wait3A_18 = tpu.memref_slice %arg4[%arg1, %arg0, %dma_wait3A] : memref<10x2x8192xf32, #tpu.memory_space<hbm>> -> memref<1x1x4096xf32, #tpu.memory_space<hbm>>
        %dma_wait3A_19 = tpu.memref_squeeze %dma_wait3A_18 : memref<1x1x4096xf32, #tpu.memory_space<hbm>> -> memref<4096xf32, #tpu.memory_space<hbm>>
        %dma_wait3A_20 = arith.constant 4096 : i32
        %dma_wait3A_21 = tpu.memref_slice %arg4[%arg1, %arg0, %dma_wait3A_20] : memref<10x2x8192xf32, #tpu.memory_space<hbm>> -> memref<1x1x4096xf32, #tpu.memory_space<hbm>>
        %dma_wait3A_22 = tpu.memref_squeeze %dma_wait3A_21 : memref<1x1x4096xf32, #tpu.memory_space<hbm>> -> memref<4096xf32, #tpu.memory_space<hbm>>
        tpu.wait_dma2 semaphore(%run_scoped3A : memref<!tpu.dma_semaphore, #tpu.memory_space<semaphore_mem>>) src(%arg7 : memref<4096xf32, #tpu.memory_space<vmem>>) dst(%dma_wait3A_22 : memref<4096xf32, #tpu.memory_space<hbm>>)
        tpu.yield
      }) : () -> ()
    } else {
    }
    return
  }
}

module attributes {stable_mosaic.version = 14 : i64} {
  func.func @_proj_body(%arg0: i32, %arg1: memref<16x64xf32, #tpu.memory_space<vmem>>, %arg2: memref<64x8192xf32, #tpu.memory_space<vmem>>, %arg3: memref<16x8192xf32, #tpu.memory_space<vmem>>) attributes {dimension_semantics = [#tpu.dimension_semantics<arbitrary>], iteration_bounds = array<i64: 13>, scalar_prefetch = 0 : i64, scratch_operands = 0 : i64, tpu.core_type = #tpu.core_type<tc>, window_params = [{pipeline_mode = #tpu.pipeline_mode<synchronous>, transform_indices = @transform_0, window_bounds = array<i64: 16, 64>}, {transform_indices = @transform_1, window_bounds = array<i64: 64, 8192>}, {transform_indices = @transform_2, window_bounds = array<i64: 16, 8192>}]} {
    %get3A = arith.constant 0 : index
    %get3A_0 = arith.constant 0 : index
    %get3A_1 = vector.load %arg1[%get3A, %get3A_0] : memref<16x64xf32, #tpu.memory_space<vmem>>, vector<16x64xf32>
    %get3A_2 = arith.constant 0 : index
    %get3A_3 = arith.constant 0 : index
    %get3A_4 = vector.load %arg2[%get3A_2, %get3A_3] : memref<64x8192xf32, #tpu.memory_space<vmem>>, vector<64x8192xf32>
    %dot_general3A = arith.constant dense<0.000000e+00> : vector<16x8192xf32>
    %dot_general3A_5 = tpu.matmul %get3A_1, %get3A_4, %dot_general3A {dimension_numbers = #tpu.dot_dimension_numbers<[1], [0], [0], [1], [0, 0, 1, 1], [], []>, transpose_lhs_hint = false} : vector<16x64xf32>, vector<64x8192xf32>, vector<16x8192xf32> -> vector<16x8192xf32>
    %swap3A = arith.constant 0 : index
    %swap3A_6 = arith.constant 0 : index
    %swap3A_7 = vector.load %arg3[%swap3A, %swap3A_6] : memref<16x8192xf32, #tpu.memory_space<vmem>>, vector<16x8192xf32>
    tpu.vector_store %arg3[%swap3A, %swap3A_6], %dot_general3A_5 {strides = array<i32>} : memref<16x8192xf32, #tpu.memory_space<vmem>>, vector<16x8192xf32>,
    return
  }
  func.func @transform_0(%arg0: i32) -> (i32, i32) {
    %c0_i32 = arith.constant 0 : i32
    %c0_i32_0 = arith.constant 0 : i32
    %c0_i32_1 = arith.constant 0 : i32
    return %c0_i32, %c0_i32_0 : i32, i32
  }
  func.func @transform_1(%arg0: i32) -> (i32, i32) {
    %c0_i32 = arith.constant 0 : i32
    %c0_i32_0 = arith.constant 0 : i32
    return %c0_i32, %arg0 : i32, i32
  }
  func.func @transform_2(%arg0: i32) -> (i32, i32) {
    %c0_i32 = arith.constant 0 : i32
    %c0_i32_0 = arith.constant 0 : i32
    return %c0_i32, %arg0 : i32, i32
  }
}

module attributes {stable_mosaic.version = 14 : i64} {
  func.func @_reduce_body(%arg0: i32, %arg1: memref<10x128x128xf32, #tpu.memory_space<vmem>>, %arg2: memref<128x128xf32, #tpu.memory_space<vmem>>, %arg3: memref<2xf32, #tpu.memory_space<smem>>, %arg4: memref<128x128xf32, #tpu.memory_space<vmem>>) attributes {dimension_semantics = [#tpu.dimension_semantics<arbitrary>], iteration_bounds = array<i64: 1>, scalar_prefetch = 0 : i64, scratch_operands = 0 : i64, tpu.core_type = #tpu.core_type<tc>, window_params = [{pipeline_mode = #tpu.pipeline_mode<synchronous>, transform_indices = @transform_0, window_bounds = array<i64: 10, 128, 128>}, {pipeline_mode = #tpu.pipeline_mode<synchronous>, transform_indices = @transform_1, window_bounds = array<i64: 128, 128>}, {transform_indices = @transform_2, window_bounds = array<i64: 2>}, {pipeline_mode = #tpu.pipeline_mode<synchronous>, transform_indices = @transform_3, window_bounds = array<i64: 128, 128>}]} {
    %get3A = arith.constant 0 : index
    %get3A_0 = arith.constant 0 : index
    %get3A_1 = vector.load %arg2[%get3A, %get3A_0] : memref<128x128xf32, #tpu.memory_space<vmem>>, vector<128x128xf32>
    %get3A_2 = arith.constant 0 : index
    %get3A_3 = memref.load %arg3[%get3A_2] : memref<2xf32, #tpu.memory_space<smem>>
    %mul3A = vector.broadcast %get3A_3 : f32 to vector<128x128xf32>
    %mul3A_4 = arith.mulf %get3A_1, %mul3A : vector<128x128xf32>
    %get3A_5 = arith.constant 1 : index
    %get3A_6 = memref.load %arg3[%get3A_5] : memref<2xf32, #tpu.memory_space<smem>>
    %add3A = vector.broadcast %get3A_6 : f32 to vector<128x128xf32>
    %add3A_7 = arith.addf %mul3A_4, %add3A : vector<128x128xf32>
    %get3A_8 = arith.constant 0 : index
    %get3A_9 = arith.constant 0 : index
    %get3A_10 = arith.constant 0 : index
    %get3A_11 = vector.load %arg1[%get3A_8, %get3A_9, %get3A_10] : memref<10x128x128xf32, #tpu.memory_space<vmem>>, vector<1x128x128xf32>
    %get3A_12 = vector.shape_cast %get3A_11 : vector<1x128x128xf32> to vector<128x128xf32>
    %add3A_13 = arith.addf %add3A_7, %get3A_12 : vector<128x128xf32>
    %get3A_14 = arith.constant 1 : index
    %get3A_15 = arith.constant 0 : index
    %get3A_16 = arith.constant 0 : index
    %get3A_17 = vector.load %arg1[%get3A_14, %get3A_15, %get3A_16] : memref<10x128x128xf32, #tpu.memory_space<vmem>>, vector<1x128x128xf32>
    %get3A_18 = vector.shape_cast %get3A_17 : vector<1x128x128xf32> to vector<128x128xf32>
    %add3A_19 = arith.addf %add3A_13, %get3A_18 : vector<128x128xf32>
    %get3A_20 = arith.constant 2 : index
    %get3A_21 = arith.constant 0 : index
    %get3A_22 = arith.constant 0 : index
    %get3A_23 = vector.load %arg1[%get3A_20, %get3A_21, %get3A_22] : memref<10x128x128xf32, #tpu.memory_space<vmem>>, vector<1x128x128xf32>
    %get3A_24 = vector.shape_cast %get3A_23 : vector<1x128x128xf32> to vector<128x128xf32>
    %add3A_25 = arith.addf %add3A_19, %get3A_24 : vector<128x128xf32>
    %get3A_26 = arith.constant 3 : index
    %get3A_27 = arith.constant 0 : index
    %get3A_28 = arith.constant 0 : index
    %get3A_29 = vector.load %arg1[%get3A_26, %get3A_27, %get3A_28] : memref<10x128x128xf32, #tpu.memory_space<vmem>>, vector<1x128x128xf32>
    %get3A_30 = vector.shape_cast %get3A_29 : vector<1x128x128xf32> to vector<128x128xf32>
    %add3A_31 = arith.addf %add3A_25, %get3A_30 : vector<128x128xf32>
    %get3A_32 = arith.constant 4 : index
    %get3A_33 = arith.constant 0 : index
    %get3A_34 = arith.constant 0 : index
    %get3A_35 = vector.load %arg1[%get3A_32, %get3A_33, %get3A_34] : memref<10x128x128xf32, #tpu.memory_space<vmem>>, vector<1x128x128xf32>
    %get3A_36 = vector.shape_cast %get3A_35 : vector<1x128x128xf32> to vector<128x128xf32>
    %add3A_37 = arith.addf %add3A_31, %get3A_36 : vector<128x128xf32>
    %get3A_38 = arith.constant 5 : index
    %get3A_39 = arith.constant 0 : index
    %get3A_40 = arith.constant 0 : index
    %get3A_41 = vector.load %arg1[%get3A_38, %get3A_39, %get3A_40] : memref<10x128x128xf32, #tpu.memory_space<vmem>>, vector<1x128x128xf32>
    %get3A_42 = vector.shape_cast %get3A_41 : vector<1x128x128xf32> to vector<128x128xf32>
    %add3A_43 = arith.addf %add3A_37, %get3A_42 : vector<128x128xf32>
    %get3A_44 = arith.constant 6 : index
    %get3A_45 = arith.constant 0 : index
    %get3A_46 = arith.constant 0 : index
    %get3A_47 = vector.load %arg1[%get3A_44, %get3A_45, %get3A_46] : memref<10x128x128xf32, #tpu.memory_space<vmem>>, vector<1x128x128xf32>
    %get3A_48 = vector.shape_cast %get3A_47 : vector<1x128x128xf32> to vector<128x128xf32>
    %add3A_49 = arith.addf %add3A_43, %get3A_48 : vector<128x128xf32>
    %get3A_50 = arith.constant 7 : index
    %get3A_51 = arith.constant 0 : index
    %get3A_52 = arith.constant 0 : index
    %get3A_53 = vector.load %arg1[%get3A_50, %get3A_51, %get3A_52] : memref<10x128x128xf32, #tpu.memory_space<vmem>>, vector<1x128x128xf32>
    %get3A_54 = vector.shape_cast %get3A_53 : vector<1x128x128xf32> to vector<128x128xf32>
    %add3A_55 = arith.addf %add3A_49, %get3A_54 : vector<128x128xf32>
    %get3A_56 = arith.constant 8 : index
    %get3A_57 = arith.constant 0 : index
    %get3A_58 = arith.constant 0 : index
    %get3A_59 = vector.load %arg1[%get3A_56, %get3A_57, %get3A_58] : memref<10x128x128xf32, #tpu.memory_space<vmem>>, vector<1x128x128xf32>
    %get3A_60 = vector.shape_cast %get3A_59 : vector<1x128x128xf32> to vector<128x128xf32>
    %add3A_61 = arith.addf %add3A_55, %get3A_60 : vector<128x128xf32>
    %get3A_62 = arith.constant 9 : index
    %get3A_63 = arith.constant 0 : index
    %get3A_64 = arith.constant 0 : index
    %get3A_65 = vector.load %arg1[%get3A_62, %get3A_63, %get3A_64] : memref<10x128x128xf32, #tpu.memory_space<vmem>>, vector<1x128x128xf32>
    %get3A_66 = vector.shape_cast %get3A_65 : vector<1x128x128xf32> to vector<128x128xf32>
    %add3A_67 = arith.addf %add3A_61, %get3A_66 : vector<128x128xf32>
    %logistic3A = arith.negf %add3A_67 : vector<128x128xf32>
    %logistic3A_68 = math.exp %logistic3A : vector<128x128xf32>
    %logistic3A_69 = arith.constant 1.000000e+00 : f32
    %logistic3A_70 = vector.broadcast %logistic3A_69 : f32 to vector<128x128xf32>
    %logistic3A_71 = arith.addf %logistic3A_70, %logistic3A_68 : vector<128x128xf32>
    %logistic3A_72 = arith.divf %logistic3A_70, %logistic3A_71 : vector<128x128xf32>
    %swap3A = arith.constant 0 : index
    %swap3A_73 = arith.constant 0 : index
    %swap3A_74 = vector.load %arg4[%swap3A, %swap3A_73] : memref<128x128xf32, #tpu.memory_space<vmem>>, vector<128x128xf32>
    tpu.vector_store %arg4[%swap3A, %swap3A_73], %logistic3A_72 {strides = array<i32>} : memref<128x128xf32, #tpu.memory_space<vmem>>, vector<128x128xf32>,
    return
  }
  func.func @transform_0(%arg0: i32) -> (i32, i32, i32) {
    %c0_i32 = arith.constant 0 : i32
    %c0_i32_0 = arith.constant 0 : i32
    %c0_i32_1 = arith.constant 0 : i32
    %c0_i32_2 = arith.constant 0 : i32
    return %c0_i32, %c0_i32_0, %c0_i32_1 : i32, i32, i32
  }
  func.func @transform_1(%arg0: i32) -> (i32, i32) {
    %c0_i32 = arith.constant 0 : i32
    %c0_i32_0 = arith.constant 0 : i32
    %c0_i32_1 = arith.constant 0 : i32
    return %c0_i32, %c0_i32_0 : i32, i32
  }
  func.func @transform_2(%arg0: i32) -> i32 {
    %c0_i32 = arith.constant 0 : i32
    %c0_i32_0 = arith.constant 0 : i32
    return %c0_i32 : i32
  }
  func.func @transform_3(%arg0: i32) -> (i32, i32) {
    %c0_i32 = arith.constant 0 : i32
    %c0_i32_0 = arith.constant 0 : i32
    %c0_i32_1 = arith.constant 0 : i32
    return %c0_i32, %c0_i32_0 : i32, i32
  }
}

</mosaic_0001>

<sc_bundles>
// kernel: kernel.5.cloned.1.call-start
scs
__scs_entry_jumppad:
0x0: {  	(pc) =	sbr.rel $0x88, $3  }
0x1: {  	(tag) =	ssettag $0x0;
	lr =	simm.s32 $0x1  }
0x2: {  	[smem:$0x3F9B] =	sst lr;
	_ =	strace $0xD0000000  }
0x3: {  	_ = 	snop  }
0x4: {  	_ = 	snop  }
0x5: {  	_ = 	snop  }
0x6: {  	_ = 	snop  }
0x7: {  	_ = 	snop  }
__scs_overlays_trampoline_lowered:
0x8: {  	[smem:$0x3FAA] =	sst s0  }
0x9: {  	[smem:$0x3FAB] =	sst s1  }
0xa: {  	[smem:$0x3FAC] =	sst s2  }
0xb: {  	[smem:$0x3FAD] =	sst s3  }
0xc: {  	[smem:$0x3FAE] =	sst s4  }
0xd: {  	[smem:$0x3FAF] =	sst s5  }
0xe: {  	[smem:$0x3FB0] =	sst s6  }
0xf: {  	[smem:$0x3FB1] =	sst s7  }
0x10: {  	[smem:$0x3FB2] =	sst s8  }
0x11: {  	[smem:$0x3FB3] =	sst s9;
	s0 =	simm.s32 @!p0 $0x0  }
0x12: {  	s1 =	sld [smem:$0x3F99];
	s0 =	simm.s32 @p0 $0x1  }
0x13: {  	[smem:$0x3FB4] =	sst s0;
	s0 =	simm.s32 @!p1 $0x0  }
0x14: {  	s2 =	sld [smem:$0x3F98];
	s0 =	simm.s32 @p1 $0x1  }
0x15: {  	[smem:$0x3FB5] =	sst s0;
	s0 =	simm.s32 @!p2 $0x0  }
0x16: {  	s3 =	sld [smem:$0x3FDB];
	s0 =	simm.s32 @p2 $0x1  }
0x17: {  	s4 =	simm.s32 $0x1BF5;
	[smem:$0x3FB7] =	sst s0  }
0x18: {  	s0 =	sld [smem:$0x3F9A];
	_ =	swait.ge [sflag:s4], $0x0  }
0x19: {  	s7 =	sld [smem:$0x3F9B]  }
0x1a: {  	s8 =	sadd.s32 $0xFFFFE003, lr  }
0x1b: {  	s9 =	sadd.s32 $0xFFFFFEF7, lr;
	s5 =	simm.s32 $0xFFFFFFFF;
	p2 =	slt.u32 s8, $0xFFFFF086  }
0x1c: {  	p1 =	slt.u32 s9, $0xF7A;
	s5 =	simm.s32 @!p2 $0x0  }
0x1d: {  	s5 =	simm.s32 @p1 $0x1;
	p0 =	seq.s32 s7, s2  }
0x1e: {  	s7 =	smul.u32 @!p0 $0xF7A, s2;
	p2 =	seq.s32 @!p0 s5, $0x0  }
0x1f: {  	s9 =	smul.u32 $0xF7A, s1;
	s8 =	simm.s32 @!p0 $0x1BF5;
	p2 =	por !p2, p0  }
0x20: {  	[sflag:s8] =	ssyncset.s32 @!p0 $0xFFFFF086;
	s6 =	sadd.s32 @!p0 s3, s7;
	s7 =	simm.s32 @!p0 $0x108  }
0x21: {  	s3 =	sadd.s32 s3, s9;
	s6 =	sadd.s32 @!p0 $0x88, s6;
	s7 =	simm.s32 @p2 $0x1082  }
0x22: {  	[simem:s7], [sflag:s8] =	dma.local @!p0 [hbm:s6], $0xF7A  }
0x23: {  	s9 =	sor.u32 $0xD0000000, s2;
	s6 =	simm.s32 $0x108;
	_ =	swait.ge @!p0 [sflag:s8], $0x0  }
0x24: {  	s3 =	sadd.s32 $0x88, s3;
	s6 =	simm.s32 @!p1 $0x1082;
	[sflag:s4] =	ssyncset.s32 $0xFFFFF086  }
0x25: {  	[simem:s6], [sflag:s4] =	dma.local [hbm:s3], $0xF7A  }
0x26: {  	[smem:$0x3F9B] =	sst s1;
	(tag) =	ssettag s2;
	_ =	strace s9  }
0x27: {  	s1 =	sld [smem:$0x3FAB]  }
0x28: {  	s2 =	sld [smem:$0x3FAC]  }
0x29: {  	s4 =	sld [smem:$0x3FAE]  }
0x2a: {  	p0 =	seq.s32 s5, $0x0;
	s5 =	sld [smem:$0x3FAF]  }
0x2b: {  	s6 =	sld [smem:$0x3FB0]  }
0x2c: {  	s7 =	sld [smem:$0x3FB1]  }
0x2d: {  	s3 =	simm.s32 $0x108;
	s8 =	sld [smem:$0x3FB2]  }
0x2e: {  	s3 =	simm.s32 @!p0 $0x1082;
	s9 =	sld [smem:$0x3FB3]  }
0x2f: {  	lr =	sadd.s32 s0, s3;
	s0 =	sld [smem:$0x3FAA]  }
0x30: {  	s3 =	sld [smem:$0x3FAD]  }
0x31: {  	[smem:$0x3FB6] =	sst s10  }
0x32: {  	s10 =	sld [smem:$0x3FB4];
	_ =	sdelay $0x3  }
0x33: {  	p0 =	seq.s32 s10, $0x1;
	s10 =	sld [smem:$0x3FB6];
	_ =	sdelay $0x3  }
0x34: {  	[smem:$0x3FB6] =	sst s10  }
0x35: {  	s10 =	sld [smem:$0x3FB5];
	_ =	sdelay $0x3  }
0x36: {  	p1 =	seq.s32 s10, $0x1;
	s10 =	sld [smem:$0x3FB6];
	_ =	sdelay $0x3  }
0x37: {  	[smem:$0x3FB6] =	sst s10  }
0x38: {  	s10 =	sld [smem:$0x3FB7]  }
0x39: {  	_ = 	snop;
	(pc) =	sbr.ind lr, $3  }
0x3a: {  	_ = 	snop  }
0x3b: {  	_ = 	snop  }
0x3c: {  	p2 =	seq.s32 s10, $0x1;
	s10 =	sld [smem:$0x3FB6]  }
0x3d: {  	_ =	shalt  }
0x3e: {  	_ =	shalt  }
0x3f: {  	_ =	shalt  }
0x40: {  	_ =	shalt  }
0x41: {  	_ =	shalt  }
0x42: {  	_ =	shalt  }
0x43: {  	_ =	shalt  }
0x44: {  	_ =	shalt  }
0x45: {  	_ =	shalt  }
0x46: {  	_ =	shalt  }
0x47: {  	_ =	shalt  }
0x48: {  	_ =	shalt  }
0x49: {  	_ =	shalt  }
0x4a: {  	_ =	shalt  }
0x4b: {  	_ =	shalt  }
0x4c: {  	_ =	shalt  }
0x4d: {  	_ =	shalt  }
0x4e: {  	_ =	shalt  }
0x4f: {  	_ =	shalt  }
0x50: {  	_ =	shalt  }
0x51: {  	_ =	shalt  }
0x52: {  	_ =	shalt  }
0x53: {  	_ =	shalt  }
0x54: {  	_ =	shalt  }
0x55: {  	_ =	shalt  }
0x56: {  	_ =	shalt  }
0x57: {  	_ =	shalt  }
0x58: {  	_ =	shalt  }
0x59: {  	_ =	shalt  }
0x5a: {  	_ =	shalt  }
0x5b: {  	_ =	shalt  }
0x5c: {  	_ =	shalt  }
0x5d: {  	_ =	shalt  }
0x5e: {  	_ =	shalt  }
0x5f: {  	_ =	shalt  }
0x60: {  	_ =	shalt  }
0x61: {  	_ =	shalt  }
0x62: {  	_ =	shalt  }
0x63: {  	_ =	shalt  }
0x64: {  	_ =	shalt  }
0x65: {  	_ =	shalt  }
0x66: {  	_ =	shalt  }
0x67: {  	_ =	shalt  }
0x68: {  	_ =	shalt  }
0x69: {  	_ =	shalt  }
0x6a: {  	_ =	shalt  }
0x6b: {  	_ =	shalt  }
0x6c: {  	_ =	shalt  }
0x6d: {  	_ =	shalt  }
0x6e: {  	_ =	shalt  }
0x6f: {  	_ =	shalt  }
0x70: {  	_ =	shalt  }
0x71: {  	_ =	shalt  }
0x72: {  	_ =	shalt  }
0x73: {  	_ =	shalt  }
0x74: {  	_ =	shalt  }
0x75: {  	_ =	shalt  }
0x76: {  	_ =	shalt  }
0x77: {  	_ =	shalt  }
0x78: {  	_ =	shalt  }
0x79: {  	_ =	shalt  }
0x7a: {  	_ =	shalt  }
0x7b: {  	_ =	shalt  }
0x7c: {  	_ =	shalt  }
0x7d: {  	_ =	shalt  }
0x7e: {  	_ =	shalt  }
0x7f: {  	_ =	shalt  }
0x80: {  	_ =	shalt  }
0x81: {  	_ =	shalt  }
0x82: {  	_ =	shalt  }
0x83: {  	_ =	shalt  }
0x84: {  	_ =	shalt  }
0x85: {  	_ =	shalt  }
0x86: {  	_ =	shalt  }
0x87: {  	_ =	shalt  }
.Lfunc_end0:
.L_simem_size_0:
called_computation_lowered:
.L_overlay_start_0:
0x88: {  	s2 =	sld [smem:$0x3FD9]  }
0x89: {  	s3 =	sld [smem:$0x3FFE];
	_ =	sdelay $0x1  }
0x8a: {  	s1 =	srdreg.scid  }
0x8b: {  	s0 =	sand.u32 $0x1, s1  }
0x8c: {  	s16 =	sshll.u32 s0, $0xA;
	s2 =	sadd.s32 s3, s2  }
0x8d: {  	s2 =	sadd.s32 s2, s16  }
0x8e: {  	[smem:$0x3FC2] =	sst s2  }
0x8f: {  	_ = 	snop  }
0x90: {  	(tm) =	ssettm $0x1  }
0x91: {  	s17 =	sld [smem:$0x3FFB];
	_ =	sdelay $0x3  }
0x92: {  	_ =	strace s17  }
0x93: {  	s2 =	sld [smem:$0x3FFC];
	_ =	sdelay $0x3  }
0x94: {  	_ =	strace s2  }
0x95: {  	s2 =	sld [smem:$0x3FFD];
	_ =	sdelay $0x3  }
0x96: {  	_ =	strace s2  }
0x97: {  	_ =	strace $0x8FFFFFFF  }
0x98: {  	s18 =	sld [smem:$0x3FDB];
	_ =	sdelay $0x1  }
0x99: {  	s19 =	simm.s32 $_scs_section_size  }
0x9a: {  	s4 =	simm.s32 $_size__tile_overlayer_lowered;
	s5 =	simm.s32 $_tile_overlayer_lowered  }
0x9b: {  	s22 =	simm.s32 $0x1BFF;
	s21 =	sshll.u32 s5, $0x1;
	s2 =	sadd.s32 s19, s18  }
0x9c: {  	s6 =	simm.s32 $0x0;
	s20 =	sshll.u32 s4, $0x1;
	s4 =	sadd.s32 s21, s2  }
0x9d: {  	[timem:s6], [sflag:s22] =	dma.local [hbm:s4], s20  }
0x9e: {  	_ =	swait.ge [sflag:s22], s20  }
0x9f: {  	s3 =	ssub.s32 $0x0, s20;
	[sflag:s22] =	ssyncset.done $0x0  }
0xa0: {  	[sflag:s22] =	ssyncadd.s32 s3;
	_ =	sdelay $0x1  }
0xa1: {  	s23 =	simm.s32 $0x1B8B  }
0xa2: {  	_ =	swait.ge [sflag:s23], $0x1  }
0xa3: {  	[sflag:s23] =	ssyncset.done $0x0  }
0xa4: {  	s25 =	simm.s32 $0x1B8E;
	s24 =	sld [smem:$0x3FFE];
	[sflag:s23] =	ssyncadd.s32 $0xFFFFFFFF  }
0xa5: {  	s26 =	simm.s32 $execute0_lowered;
	[smem:$0x3FD2] =	sst s25  }
0xa6: {  	s4 =	sshll.u32 s26, $0x1;
	_ =	strace $0x80000046;
	[dreg:$0x1] =	wrdreg $0xFFFFFFFF  }
0xa7: {  	s28 =	simm.s32 $_size_execute0_lowered;
	s2 =	sadd.s32 s2, s4;
	[dreg:$0x0] =	wrdreg $0x0  }
0xa8: {  	s4 =	sshll.u32 s28, $0x1;
	[dreg:$0x2] =	wrdreg s2  }
0xa9: {  	[dreg:$0x3] =	wrdreg s4  }
0xaa: {  	[dreg:$0x4] =	wrdreg $0xC0  }
0xab: {  	_ =	task [dreg:s6], $0x5FFFF  }
0xac: {  	[dreg:$0x1] =	wrdreg $0xFFFFFFFF  }
0xad: {  	[dreg:$0x0] =	wrdreg $0x60  }
0xae: {  	[dreg:$0x2] =	wrdreg s24  }
0xaf: {  	[dreg:$0x3] =	wrdreg $0x9  }
0xb0: {  	_ =	task.clear_ibuf [dreg:s6], $0x4FFFF;
	_ =	strace $0x90000046  }
0xb1: {  	s29 =	simm.s32 $0x9;
	_ =	strace $0x80000048  }
0xb2: {  	_ =	swait.ge [sflag:s29], $0x1  }
0xb3: {  	[sflag:s29] =	ssyncadd.s32 $0xFFFFFFFF  }
0xb4: {  	_ =	strace $0x90000048  }
0xb5: {  	_ =	sfence  }
0xb6: {  	s30 =	sld [smem:$0x0];
	_ =	sdelay $0x2  }
0xb7: {  	s31 =	sshll.u32 s1, $0xD;
	s1 =	sshrl.u32 s1, $0x2  }
0xb8: {  	s3 =	sand.u32 $0x4000, s31;
	s1 =	sadd.s32 s1, s30  }
0xb9: {  	s0 =	sor.u32 s3, s0;
	s1 =	sshll.u32 s1, $0x11  }
0xba: {  	s0 =	sor.u32 s1, s0  }
0xbb: {  	s0 =	sadd.s32 $0x8F2B, s0  }
0xbc: {  	[sflag:s0] =	ssyncadd.remote.s32 $0x1  }
0xbd: {  	_ =	sfence.sel $0xFFFF  }
0xbe: {  	[dreg:$0x0] =	wrdreg $0xFFFFFFFF;
	(pc) =	sbr.abs _section_cstart, $3  }
0xbf: {  	[dreg:$0x1] =	wrdreg $0xFFFFFFFF  }
0xc0: {  	_ =	task.clear_ibuf [dreg:s6], $0x2FFFF;
	_ =	strace $0x9FFFFFFF  }
0xc1: {  	(tm) =	ssettm $0x7FFFFFFF  }
tec
execute0_lowered:
.L_overlay_start_1:
0x0: {  	(tag) =	ssettag $0x1  }
0x1: {  	s1 =	stileid.u32  }
0x2: {  	p0 =	sgt.u32 s1, $0x9  }
.Ltmp0:
0x3: {  	_ = 	snop;
	(pc) =	sbr.rel @p0 .LBB2_7-.Ltmp0, $4  }
0x4: {  	_ = 	snop  }
0x5: {  	s3 =	rddreg [dreg:$0x0];
	s2 =	simm.s32 $0x0  }
0x6: {  	[smem:$0x7FF] =	sst s2  }
0x7: {  	s0 =	rddreg [dreg:$0x1];
	_ =	strace $0x80000047  }
0x8: {  	s4 =	sshrl.u32 s1, $0x3  }
0x9: {  	s5 =	sshll.u32 s1, $0x7;
	s10 =	sadd.s32 $0x5400, s3;
	s8 =	sadd.s32 $0x400, s3  }
0xa: {  	s9 =	sadd.s32 $0x39400, s3;
	s28 =	srdreg.scid;
	s6 =	sshll.u32 s1, $0xB  }
0xb: {  	s15 =	simm.s32 $0x6800;
	s16 =	simm.s32 $0xD000;
	s17 =	simm.s32 $0x13800  }
0xc: {  	s18 =	simm.s32 $0x100;
	s19 =	simm.s32 $0x1A000;
	s20 =	simm.s32 $0x1B000  }
0xd: {  	s21 =	simm.s32 $0x0;
	s4 =	smul.u32 $0xD0000, s4;
	s7 =	sand.u32 $0x1, s28  }
0xe: {  	s5 =	sand.u32 $0x380, s5;
	s12 =	sshll.u32 s7, $0x4;
	s14 =	ssub.s32 $0x2, s7  }
0xf: {  	s11 =	sor.u32 s5, s4;
	s12 =	sor.u32 s12, s6;
	s31 =	sshrl.u32 s14, $0x1  }
0x10: {  	s4 =	sadd.s32 $0x34000, s11;
	s30 =	sadd.s32 $0x68000, s11;
	s5 =	sadd.s32 $0x9C000, s11  }
0x11: {  	s6 =	sadd.s32 s8, s12;
	s13 =	sor.u32 $0x400, s12;
	s7 =	sadd.s32 s9, s12  }
0x12: {  	s12 =	ssub.s32 s14, s31;
	s11 =	sshrl.u32 s11, $0x3;
	s14 =	simm.s32 $0x1  }
0x13: {  	s29 =	sshrl.u32 s4, $0x3;
	s4 =	sshrl.u32 s30, $0x3;
	s5 =	sshrl.u32 s5, $0x3  }
0x14: {  	s8 =	sadd.s32 s8, s13;
	s9 =	sadd.s32 s9, s13;
	s13 =	simm.s32 $0x400  }
0x15: {  	s3 =	sadd.s32 s10, s29;
	s4 =	sadd.s32 s10, s4;
	s5 =	sadd.s32 s10, s5  }
0x16: {  	s10 =	sadd.s32 s10, s11;
	s11 =	smax.u32 s12, $0x1;
	s12 =	simm.s32 $0x80  }
.LBB2_2:
0x17: {  	s22 =	simm.s32 $0x0  }
0x18: {  	[tilespmem:s22], [sflag:$0x1] =	stream.strided.gather [hbm4b:s10+s12], $0x6800, s13, s12, $0x38;
	[tilespmem:$0x1C000] =	vst v63  }
0x19: {  	_ =	swait.ge [sflag:s14], $0x6800  }
0x1a: {  	[sflag:s14] =	ssyncset.done $0x0  }
0x1b: {  	[sflag:s14] =	ssyncadd.s32 $0xFFFF9800  }
0x1c: {  	[tilespmem:s15], [sflag:$0x1] =	stream.strided.gather [hbm4b:s3+s12], $0x6800, s13, s12, $0x38;
	[tilespmem:$0x1C000] =	vst v63  }
0x1d: {  	_ =	swait.ge [sflag:s14], $0x6800  }
0x1e: {  	[sflag:s14] =	ssyncset.done $0x0  }
0x1f: {  	[sflag:s14] =	ssyncadd.s32 $0xFFFF9800  }
0x20: {  	[tilespmem:s16], [sflag:$0x1] =	stream.strided.gather [hbm4b:s4+s12], $0x6800, s13, s12, $0x38;
	[tilespmem:$0x1C000] =	vst v63  }
0x21: {  	_ =	swait.ge [sflag:s14], $0x6800  }
0x22: {  	[sflag:s14] =	ssyncset.done $0x0  }
0x23: {  	[sflag:s14] =	ssyncadd.s32 $0xFFFF9800  }
0x24: {  	[tilespmem:s17], [sflag:$0x1] =	stream.strided.gather [hbm4b:s5+s12], $0x6800, s13, s12, $0x38;
	[tilespmem:$0x1C000] =	vst v63  }
0x25: {  	_ =	swait.ge [sflag:s14], $0x6800  }
0x26: {  	[sflag:s14] =	ssyncset.done $0x0  }
0x27: {  	[sflag:s14] =	ssyncadd.s32 $0xFFFF9800  }
0x28: {  	[tilespmem:s19], [sflag:$0x1] =	stream.strided.gather [hbm4b:s6+s12], $0x1000, s18, s12, $0x38;
	[tilespmem:$0x1C000] =	vst v63  }
0x29: {  	_ =	swait.ge [sflag:s14], $0x1000  }
0x2a: {  	[sflag:s14] =	ssyncset.done $0x0  }
0x2b: {  	s22 =	simm.s32 $0x0;
	[sflag:s14] =	ssyncadd.s32 $0xFFFFF000  }
0x2c: {  	v0 =	vld [tilespmem:s22+$0x1A000];
	_ =	sdelay $0x5  }
0x2d: {  	v1 =	vld [tilespmem:s22+$0x1A010];
	_ =	sdelay $0x1  }
0x2e: {  	v0 =	vld.idx.msk [tilespmem:v0+s2+$0x0], $0xffff;
	_ =	sdelay $0x4  }
0x2f: {  	[tilespmem:s22+$0x1B000] =	vst v0;
	v0 =	vld [tilespmem:s22+$0x1A020]  }
0x30: {  	v1 =	vld.idx.msk [tilespmem:v1+s2+$0x0], $0xffff;
	_ =	sdelay $0x4  }
0x31: {  	[tilespmem:s22+$0x1B010] =	vst v1;
	v1 =	vld [tilespmem:s22+$0x1A030];
	_ =	sdelay $0x1  }
0x32: {  	v0 =	vld.idx.msk [tilespmem:v0+s2+$0x0], $0xffff;
	_ =	sdelay $0x4  }
0x33: {  	[tilespmem:s22+$0x1B020] =	vst v0;
	v0 =	vld [tilespmem:s22+$0x1A040]  }
0x34: {  	v1 =	vld.idx.msk [tilespmem:v1+s2+$0x0], $0xffff;
	_ =	sdelay $0x4  }
0x35: {  	[tilespmem:s22+$0x1B030] =	vst v1;
	v1 =	vld [tilespmem:s22+$0x1A050];
	_ =	sdelay $0x1  }
0x36: {  	v0 =	vld.idx.msk [tilespmem:v0+s2+$0x0], $0xffff;
	_ =	sdelay $0x4  }
0x37: {  	[tilespmem:s22+$0x1B040] =	vst v0;
	v0 =	vld [tilespmem:s22+$0x1A060]  }
0x38: {  	v1 =	vld.idx.msk [tilespmem:v1+s2+$0x0], $0xffff;
	_ =	sdelay $0x4  }
0x39: {  	[tilespmem:s22+$0x1B050] =	vst v1;
	v1 =	vld [tilespmem:s22+$0x1A070];
	_ =	sdelay $0x1  }
0x3a: {  	v0 =	vld.idx.msk [tilespmem:v0+s2+$0x0], $0xffff;
	_ =	sdelay $0x4  }
0x3b: {  	[tilespmem:s22+$0x1B060] =	vst v0;
	v0 =	vld [tilespmem:s22+$0x1A080]  }
0x3c: {  	v1 =	vld.idx.msk [tilespmem:v1+s2+$0x0], $0xffff;
	_ =	sdelay $0x4  }
0x3d: {  	[tilespmem:s22+$0x1B070] =	vst v1;
	v1 =	vld [tilespmem:s22+$0x1A090];
	_ =	sdelay $0x1  }
0x3e: {  	v0 =	vld.idx.msk [tilespmem:v0+s2+$0x0], $0xffff;
	_ =	sdelay $0x4  }
0x3f: {  	[tilespmem:s22+$0x1B080] =	vst v0;
	v0 =	vld [tilespmem:s22+$0x1A0A0]  }
0x40: {  	v1 =	vld.idx.msk [tilespmem:v1+s2+$0x0], $0xffff;
	_ =	sdelay $0x4  }
0x41: {  	[tilespmem:s22+$0x1B090] =	vst v1;
	v1 =	vld [tilespmem:s22+$0x1A0B0];
	_ =	sdelay $0x1  }
0x42: {  	v0 =	vld.idx.msk [tilespmem:v0+s2+$0x0], $0xffff;
	_ =	sdelay $0x4  }
0x43: {  	[tilespmem:s22+$0x1B0A0] =	vst v0;
	v0 =	vld [tilespmem:s22+$0x1A0C0]  }
0x44: {  	v1 =	vld.idx.msk [tilespmem:v1+s2+$0x0], $0xffff;
	_ =	sdelay $0x4  }
0x45: {  	[tilespmem:s22+$0x1B0B0] =	vst v1;
	v1 =	vld [tilespmem:s22+$0x1A0D0];
	_ =	sdelay $0x1  }
0x46: {  	v0 =	vld.idx.msk [tilespmem:v0+s2+$0x0], $0xffff;
	_ =	sdelay $0x4  }
0x47: {  	v2 =	vld [tilespmem:s22+$0x1A0E0];
	[tilespmem:s22+$0x1B0C0] =	vst v0  }
0x48: {  	v0 =	vld.idx.msk [tilespmem:v1+s2+$0x0], $0xffff;
	_ =	sdelay $0x4  }
0x49: {  	[tilespmem:s22+$0x1B0D0] =	vst v0;
	v0 =	vld [tilespmem:s22+$0x1A0F0];
	_ =	sdelay $0x1  }
0x4a: {  	v1 =	vld.idx.msk [tilespmem:v2+s2+$0x0], $0xffff;
	_ =	sdelay $0x3  }
0x4b: {  	s24 =	simm.s32 $0x100;
	s23 =	simm.s32 $0x800  }
.LBB2_3:
0x4c: {  	p0 =	sne.s32 s23, $0x3C00;
	v2 =	vld [tilespmem:s24+$0x1A000];
	[tilespmem:s22+$0x1B0E0] =	vst v1  }
0x4d: {  	v0 =	vld.idx.msk [tilespmem:v0+s2+$0x0], $0xffff;
	_ =	sdelay $0x5  }
0x4e: {  	v1 =	vld [tilespmem:s24+$0x1A010];
	[tilespmem:s22+$0x1B0F0] =	vst v0;
	s22 =	smov.u32 s24  }
0x4f: {  	v0 =	vld.idx.msk [tilespmem:v2+s2+$0x0], $0xffff;
	_ =	sdelay $0x5  }
0x50: {  	[tilespmem:s22+$0x1B000] =	vst v0;
	v0 =	vld [tilespmem:s22+$0x1A020]  }
0x51: {  	v1 =	vld.idx.msk [tilespmem:v1+s2+$0x0], $0xffff;
	_ =	sdelay $0x5  }
0x52: {  	[tilespmem:s22+$0x1B010] =	vst v1;
	v1 =	vld [tilespmem:s22+$0x1A030]  }
0x53: {  	v0 =	vld.idx.msk [tilespmem:v0+s2+$0x0], $0xffff;
	_ =	sdelay $0x5  }
0x54: {  	[tilespmem:s22+$0x1B020] =	vst v0;
	v0 =	vld [tilespmem:s22+$0x1A040]  }
0x55: {  	v1 =	vld.idx.msk [tilespmem:v1+s2+$0x0], $0xffff;
	_ =	sdelay $0x5  }
0x56: {  	[tilespmem:s22+$0x1B030] =	vst v1;
	v1 =	vld [tilespmem:s22+$0x1A050]  }
0x57: {  	v0 =	vld.idx.msk [tilespmem:v0+s2+$0x0], $0xffff;
	_ =	sdelay $0x5  }
0x58: {  	[tilespmem:s22+$0x1B040] =	vst v0;
	v0 =	vld [tilespmem:s22+$0x1A060]  }
0x59: {  	v1 =	vld.idx.msk [tilespmem:v1+s2+$0x0], $0xffff;
	_ =	sdelay $0x5  }
0x5a: {  	[tilespmem:s22+$0x1B050] =	vst v1;
	v1 =	vld [tilespmem:s22+$0x1A070]  }
0x5b: {  	v0 =	vld.idx.msk [tilespmem:v0+s2+$0x0], $0xffff;
	_ =	sdelay $0x5  }
0x5c: {  	[tilespmem:s22+$0x1B060] =	vst v0;
	v0 =	vld [tilespmem:s22+$0x1A080]  }
0x5d: {  	v1 =	vld.idx.msk [tilespmem:v1+s2+$0x0], $0xffff;
	_ =	sdelay $0x5  }
0x5e: {  	[tilespmem:s22+$0x1B070] =	vst v1;
	v1 =	vld [tilespmem:s22+$0x1A090]  }
0x5f: {  	v0 =	vld.idx.msk [tilespmem:v0+s2+$0x0], $0xffff;
	_ =	sdelay $0x5  }
0x60: {  	[tilespmem:s22+$0x1B080] =	vst v0;
	v0 =	vld [tilespmem:s22+$0x1A0A0]  }
0x61: {  	v1 =	vld.idx.msk [tilespmem:v1+s2+$0x0], $0xffff;
	_ =	sdelay $0x5  }
0x62: {  	[tilespmem:s22+$0x1B090] =	vst v1;
	v1 =	vld [tilespmem:s22+$0x1A0B0]  }
0x63: {  	v0 =	vld.idx.msk [tilespmem:v0+s2+$0x0], $0xffff;
	_ =	sdelay $0x5  }
0x64: {  	[tilespmem:s22+$0x1B0A0] =	vst v0;
	v0 =	vld [tilespmem:s22+$0x1A0C0]  }
0x65: {  	v1 =	vld.idx.msk [tilespmem:v1+s2+$0x0], $0xffff;
	_ =	sdelay $0x5  }
0x66: {  	[tilespmem:s22+$0x1B0B0] =	vst v1;
	v1 =	vld [tilespmem:s22+$0x1A0D0]  }
0x67: {  	v0 =	vld.idx.msk [tilespmem:v0+s2+$0x0], $0xffff;
	_ =	sdelay $0x5  }
0x68: {  	[tilespmem:s22+$0x1B0C0] =	vst v0;
	v2 =	vld [tilespmem:s22+$0x1A0E0]  }
0x69: {  	v0 =	vld.idx.msk [tilespmem:v1+s2+$0x0], $0xffff;
	_ =	sdelay $0x5  }
0x6a: {  	[tilespmem:s22+$0x1B0D0] =	vst v0;
	v0 =	vld [tilespmem:s22+$0x1A0F0]  }
0x6b: {  	v1 =	vld.idx.msk [tilespmem:v2+s2+$0x0], $0xffff  }
.Ltmp1:
0x6c: {  	(pc) =	sbr.rel @p0 .LBB2_3-.Ltmp1, $2  }
0x6d: {  	_ =	sdelay $0x2  }
0x6e: {  	s24 =	sshra.s32 s23, $0x2;
	s23 =	sadd.s32 $0x400, s23  }
0x6f: {  	_ =	sdelay $0x1  }
0x70: {  	v2 =	vld [tilespmem:s24+$0x1A000]  }
0x71: {  	[tilespmem:s22+$0x1B0E0] =	vst v1  }
0x72: {  	v0 =	vld.idx.msk [tilespmem:v0+s2+$0x0], $0xffff;
	_ =	sdelay $0x3  }
0x73: {  	v1 =	vld [tilespmem:s24+$0x1A010]  }
0x74: {  	[tilespmem:s22+$0x1B0F0] =	vst v0  }
0x75: {  	v0 =	vld.idx.msk [tilespmem:v2+s2+$0x0], $0xffff;
	_ =	sdelay $0x4  }
0x76: {  	[tilespmem:s24+$0x1B000] =	vst v0;
	v0 =	vld [tilespmem:s24+$0x1A020]  }
0x77: {  	v1 =	vld.idx.msk [tilespmem:v1+s2+$0x0], $0xffff;
	_ =	sdelay $0x4  }
0x78: {  	[tilespmem:s24+$0x1B010] =	vst v1;
	v1 =	vld [tilespmem:s24+$0x1A030];
	_ =	sdelay $0x1  }
0x79: {  	v0 =	vld.idx.msk [tilespmem:v0+s2+$0x0], $0xffff;
	_ =	sdelay $0x4  }
0x7a: {  	[tilespmem:s24+$0x1B020] =	vst v0;
	v0 =	vld [tilespmem:s24+$0x1A040]  }
0x7b: {  	v1 =	vld.idx.msk [tilespmem:v1+s2+$0x0], $0xffff;
	_ =	sdelay $0x4  }
0x7c: {  	[tilespmem:s24+$0x1B030] =	vst v1;
	v1 =	vld [tilespmem:s24+$0x1A050];
	_ =	sdelay $0x1  }
0x7d: {  	v0 =	vld.idx.msk [tilespmem:v0+s2+$0x0], $0xffff;
	_ =	sdelay $0x4  }
0x7e: {  	[tilespmem:s24+$0x1B040] =	vst v0;
	v0 =	vld [tilespmem:s24+$0x1A060]  }
0x7f: {  	v1 =	vld.idx.msk [tilespmem:v1+s2+$0x0], $0xffff;
	_ =	sdelay $0x4  }
0x80: {  	[tilespmem:s24+$0x1B050] =	vst v1;
	v1 =	vld [tilespmem:s24+$0x1A070];
	_ =	sdelay $0x1  }
0x81: {  	v0 =	vld.idx.msk [tilespmem:v0+s2+$0x0], $0xffff;
	_ =	sdelay $0x4  }
0x82: {  	[tilespmem:s24+$0x1B060] =	vst v0;
	v0 =	vld [tilespmem:s24+$0x1A080]  }
0x83: {  	v1 =	vld.idx.msk [tilespmem:v1+s2+$0x0], $0xffff;
	_ =	sdelay $0x4  }
0x84: {  	[tilespmem:s24+$0x1B070] =	vst v1;
	v1 =	vld [tilespmem:s24+$0x1A090];
	_ =	sdelay $0x1  }
0x85: {  	v0 =	vld.idx.msk [tilespmem:v0+s2+$0x0], $0xffff;
	_ =	sdelay $0x4  }
0x86: {  	[tilespmem:s24+$0x1B080] =	vst v0;
	v0 =	vld [tilespmem:s24+$0x1A0A0]  }
0x87: {  	v1 =	vld.idx.msk [tilespmem:v1+s2+$0x0], $0xffff;
	_ =	sdelay $0x4  }
0x88: {  	[tilespmem:s24+$0x1B090] =	vst v1;
	v1 =	vld [tilespmem:s24+$0x1A0B0];
	_ =	sdelay $0x1  }
0x89: {  	v0 =	vld.idx.msk [tilespmem:v0+s2+$0x0], $0xffff;
	_ =	sdelay $0x4  }
0x8a: {  	[tilespmem:s24+$0x1B0A0] =	vst v0;
	v0 =	vld [tilespmem:s24+$0x1A0C0]  }
0x8b: {  	v1 =	vld.idx.msk [tilespmem:v1+s2+$0x0], $0xffff;
	_ =	sdelay $0x4  }
0x8c: {  	[tilespmem:s24+$0x1B0B0] =	vst v1;
	v1 =	vld [tilespmem:s24+$0x1A0D0];
	_ =	sdelay $0x1  }
0x8d: {  	v0 =	vld.idx.msk [tilespmem:v0+s2+$0x0], $0xffff;
	_ =	sdelay $0x4  }
0x8e: {  	[tilespmem:s24+$0x1B0C0] =	vst v0;
	v0 =	vld [tilespmem:s24+$0x1A0E0]  }
0x8f: {  	v1 =	vld.idx.msk [tilespmem:v1+s2+$0x0], $0xffff;
	_ =	sdelay $0x4  }
0x90: {  	[tilespmem:s24+$0x1B0D0] =	vst v1;
	v1 =	vld [tilespmem:s24+$0x1A0F0];
	_ =	sdelay $0x1  }
0x91: {  	v0 =	vld.idx.msk [tilespmem:v0+s2+$0x0], $0xffff;
	_ =	sdelay $0x4  }
0x92: {  	[tilespmem:s24+$0x1B0E0] =	vst v0  }
0x93: {  	v0 =	vld.idx.msk [tilespmem:v1+s2+$0x0], $0xffff;
	_ =	sdelay $0x4  }
0x94: {  	[tilespmem:s24+$0x1B0F0] =	vst v0  }
0x95: {  	[hbm4b:s7+s12] =	stream.strided.scatter [tilespmem:s20], [sflag:$0x1], $0x1000, s18, s12, $0x38;
	[tilespmem:$0x1C000] =	vst v63  }
0x96: {  	_ =	swait.ge [sflag:s14], $0x1000  }
0x97: {  	[sflag:s14] =	ssyncset.done $0x0  }
0x98: {  	[sflag:s14] =	ssyncadd.s32 $0xFFFFF000  }
0x99: {  	[tilespmem:s19], [sflag:$0x1] =	stream.strided.gather [hbm4b:s8+s12], $0x1000, s18, s12, $0x38;
	[tilespmem:$0x1C000] =	vst v63  }
0x9a: {  	_ =	swait.ge [sflag:s14], $0x1000  }
0x9b: {  	[sflag:s14] =	ssyncset.done $0x0  }
0x9c: {  	s22 =	simm.s32 $0x0;
	[sflag:s14] =	ssyncadd.s32 $0xFFFFF000  }
0x9d: {  	v0 =	vld [tilespmem:s22+$0x1A000];
	_ =	sdelay $0x5  }
0x9e: {  	v1 =	vld [tilespmem:s22+$0x1A010];
	_ =	sdelay $0x1  }
0x9f: {  	v0 =	vld.idx.msk [tilespmem:v0+s2+$0x0], $0xffff;
	_ =	sdelay $0x4  }
0xa0: {  	[tilespmem:s22+$0x1B000] =	vst v0;
	v0 =	vld [tilespmem:s22+$0x1A020]  }
0xa1: {  	v1 =	vld.idx.msk [tilespmem:v1+s2+$0x0], $0xffff;
	_ =	sdelay $0x4  }
0xa2: {  	[tilespmem:s22+$0x1B010] =	vst v1;
	v1 =	vld [tilespmem:s22+$0x1A030];
	_ =	sdelay $0x1  }
0xa3: {  	v0 =	vld.idx.msk [tilespmem:v0+s2+$0x0], $0xffff;
	_ =	sdelay $0x4  }
0xa4: {  	[tilespmem:s22+$0x1B020] =	vst v0;
	v0 =	vld [tilespmem:s22+$0x1A040]  }
0xa5: {  	v1 =	vld.idx.msk [tilespmem:v1+s2+$0x0], $0xffff;
	_ =	sdelay $0x4  }
0xa6: {  	[tilespmem:s22+$0x1B030] =	vst v1;
	v1 =	vld [tilespmem:s22+$0x1A050];
	_ =	sdelay $0x1  }
0xa7: {  	v0 =	vld.idx.msk [tilespmem:v0+s2+$0x0], $0xffff;
	_ =	sdelay $0x4  }
0xa8: {  	[tilespmem:s22+$0x1B040] =	vst v0;
	v0 =	vld [tilespmem:s22+$0x1A060]  }
0xa9: {  	v1 =	vld.idx.msk [tilespmem:v1+s2+$0x0], $0xffff;
	_ =	sdelay $0x4  }
0xaa: {  	[tilespmem:s22+$0x1B050] =	vst v1;
	v1 =	vld [tilespmem:s22+$0x1A070];
	_ =	sdelay $0x1  }
0xab: {  	v0 =	vld.idx.msk [tilespmem:v0+s2+$0x0], $0xffff;
	_ =	sdelay $0x4  }
0xac: {  	[tilespmem:s22+$0x1B060] =	vst v0;
	v0 =	vld [tilespmem:s22+$0x1A080]  }
0xad: {  	v1 =	vld.idx.msk [tilespmem:v1+s2+$0x0], $0xffff;
	_ =	sdelay $0x4  }
0xae: {  	[tilespmem:s22+$0x1B070] =	vst v1;
	v1 =	vld [tilespmem:s22+$0x1A090];
	_ =	sdelay $0x1  }
0xaf: {  	v0 =	vld.idx.msk [tilespmem:v0+s2+$0x0], $0xffff;
	_ =	sdelay $0x4  }
0xb0: {  	[tilespmem:s22+$0x1B080] =	vst v0;
	v0 =	vld [tilespmem:s22+$0x1A0A0]  }
0xb1: {  	v1 =	vld.idx.msk [tilespmem:v1+s2+$0x0], $0xffff;
	_ =	sdelay $0x4  }
0xb2: {  	[tilespmem:s22+$0x1B090] =	vst v1;
	v1 =	vld [tilespmem:s22+$0x1A0B0];
	_ =	sdelay $0x1  }
0xb3: {  	v0 =	vld.idx.msk [tilespmem:v0+s2+$0x0], $0xffff;
	_ =	sdelay $0x4  }
0xb4: {  	[tilespmem:s22+$0x1B0A0] =	vst v0;
	v0 =	vld [tilespmem:s22+$0x1A0C0]  }
0xb5: {  	v1 =	vld.idx.msk [tilespmem:v1+s2+$0x0], $0xffff;
	_ =	sdelay $0x4  }
0xb6: {  	[tilespmem:s22+$0x1B0B0] =	vst v1;
	v1 =	vld [tilespmem:s22+$0x1A0D0];
	_ =	sdelay $0x1  }
0xb7: {  	v0 =	vld.idx.msk [tilespmem:v0+s2+$0x0], $0xffff;
	_ =	sdelay $0x4  }
0xb8: {  	v2 =	vld [tilespmem:s22+$0x1A0E0];
	[tilespmem:s22+$0x1B0C0] =	vst v0  }
0xb9: {  	v0 =	vld.idx.msk [tilespmem:v1+s2+$0x0], $0xffff;
	_ =	sdelay $0x4  }
0xba: {  	[tilespmem:s22+$0x1B0D0] =	vst v0;
	v0 =	vld [tilespmem:s22+$0x1A0F0];
	_ =	sdelay $0x1  }
0xbb: {  	v1 =	vld.idx.msk [tilespmem:v2+s2+$0x0], $0xffff;
	_ =	sdelay $0x3  }
0xbc: {  	s23 =	simm.s32 $0x800;
	s24 =	simm.s32 $0x100  }
.LBB2_5:
0xbd: {  	p0 =	sne.s32 s23, $0x3C00;
	v2 =	vld [tilespmem:s24+$0x1A000];
	[tilespmem:s22+$0x1B0E0] =	vst v1  }
0xbe: {  	v0 =	vld.idx.msk [tilespmem:v0+s2+$0x0], $0xffff;
	_ =	sdelay $0x5  }
0xbf: {  	v1 =	vld [tilespmem:s24+$0x1A010];
	[tilespmem:s22+$0x1B0F0] =	vst v0;
	s22 =	smov.u32 s24  }
0xc0: {  	v0 =	vld.idx.msk [tilespmem:v2+s2+$0x0], $0xffff;
	_ =	sdelay $0x5  }
0xc1: {  	[tilespmem:s22+$0x1B000] =	vst v0;
	v0 =	vld [tilespmem:s22+$0x1A020]  }
0xc2: {  	v1 =	vld.idx.msk [tilespmem:v1+s2+$0x0], $0xffff;
	_ =	sdelay $0x5  }
0xc3: {  	[tilespmem:s22+$0x1B010] =	vst v1;
	v1 =	vld [tilespmem:s22+$0x1A030]  }
0xc4: {  	v0 =	vld.idx.msk [tilespmem:v0+s2+$0x0], $0xffff;
	_ =	sdelay $0x5  }
0xc5: {  	[tilespmem:s22+$0x1B020] =	vst v0;
	v0 =	vld [tilespmem:s22+$0x1A040]  }
0xc6: {  	v1 =	vld.idx.msk [tilespmem:v1+s2+$0x0], $0xffff;
	_ =	sdelay $0x5  }
0xc7: {  	[tilespmem:s22+$0x1B030] =	vst v1;
	v1 =	vld [tilespmem:s22+$0x1A050]  }
0xc8: {  	v0 =	vld.idx.msk [tilespmem:v0+s2+$0x0], $0xffff;
	_ =	sdelay $0x5  }
0xc9: {  	[tilespmem:s22+$0x1B040] =	vst v0;
	v0 =	vld [tilespmem:s22+$0x1A060]  }
0xca: {  	v1 =	vld.idx.msk [tilespmem:v1+s2+$0x0], $0xffff;
	_ =	sdelay $0x5  }
0xcb: {  	[tilespmem:s22+$0x1B050] =	vst v1;
	v1 =	vld [tilespmem:s22+$0x1A070]  }
0xcc: {  	v0 =	vld.idx.msk [tilespmem:v0+s2+$0x0], $0xffff;
	_ =	sdelay $0x5  }
0xcd: {  	[tilespmem:s22+$0x1B060] =	vst v0;
	v0 =	vld [tilespmem:s22+$0x1A080]  }
0xce: {  	v1 =	vld.idx.msk [tilespmem:v1+s2+$0x0], $0xffff;
	_ =	sdelay $0x5  }
0xcf: {  	[tilespmem:s22+$0x1B070] =	vst v1;
	v1 =	vld [tilespmem:s22+$0x1A090]  }
0xd0: {  	v0 =	vld.idx.msk [tilespmem:v0+s2+$0x0], $0xffff;
	_ =	sdelay $0x5  }
0xd1: {  	[tilespmem:s22+$0x1B080] =	vst v0;
	v0 =	vld [tilespmem:s22+$0x1A0A0]  }
0xd2: {  	v1 =	vld.idx.msk [tilespmem:v1+s2+$0x0], $0xffff;
	_ =	sdelay $0x5  }
0xd3: {  	[tilespmem:s22+$0x1B090] =	vst v1;
	v1 =	vld [tilespmem:s22+$0x1A0B0]  }
0xd4: {  	v0 =	vld.idx.msk [tilespmem:v0+s2+$0x0], $0xffff;
	_ =	sdelay $0x5  }
0xd5: {  	[tilespmem:s22+$0x1B0A0] =	vst v0;
	v0 =	vld [tilespmem:s22+$0x1A0C0]  }
0xd6: {  	v1 =	vld.idx.msk [tilespmem:v1+s2+$0x0], $0xffff;
	_ =	sdelay $0x5  }
0xd7: {  	[tilespmem:s22+$0x1B0B0] =	vst v1;
	v1 =	vld [tilespmem:s22+$0x1A0D0]  }
0xd8: {  	v0 =	vld.idx.msk [tilespmem:v0+s2+$0x0], $0xffff;
	_ =	sdelay $0x5  }
0xd9: {  	[tilespmem:s22+$0x1B0C0] =	vst v0;
	v2 =	vld [tilespmem:s22+$0x1A0E0]  }
0xda: {  	v0 =	vld.idx.msk [tilespmem:v1+s2+$0x0], $0xffff;
	_ =	sdelay $0x5  }
0xdb: {  	[tilespmem:s22+$0x1B0D0] =	vst v0;
	v0 =	vld [tilespmem:s22+$0x1A0F0]  }
0xdc: {  	v1 =	vld.idx.msk [tilespmem:v2+s2+$0x0], $0xffff  }
.Ltmp2:
0xdd: {  	(pc) =	sbr.rel @p0 .LBB2_5-.Ltmp2, $2  }
0xde: {  	_ =	sdelay $0x2  }
0xdf: {  	s24 =	sshra.s32 s23, $0x2;
	s23 =	sadd.s32 $0x400, s23  }
0xe0: {  	_ =	sdelay $0x1  }
0xe1: {  	v2 =	vld [tilespmem:s24+$0x1A000]  }
0xe2: {  	[tilespmem:s22+$0x1B0E0] =	vst v1  }
0xe3: {  	v0 =	vld.idx.msk [tilespmem:v0+s2+$0x0], $0xffff;
	_ =	sdelay $0x3  }
0xe4: {  	v1 =	vld [tilespmem:s24+$0x1A010]  }
0xe5: {  	[tilespmem:s22+$0x1B0F0] =	vst v0  }
0xe6: {  	v0 =	vld.idx.msk [tilespmem:v2+s2+$0x0], $0xffff;
	_ =	sdelay $0x3  }
0xe7: {  	v50 =	vld [tilespmem:s24+$0x1A020]  }
0xe8: {  	[tilespmem:s24+$0x1B000] =	vst v0  }
0xe9: {  	v1 =	vld.idx.msk [tilespmem:v1+s2+$0x0], $0xffff;
	_ =	sdelay $0x3  }
0xea: {  	v51 =	vld [tilespmem:s24+$0x1A030]  }
0xeb: {  	[tilespmem:s24+$0x1B010] =	vst v1  }
0xec: {  	v0 =	vld.idx.msk [tilespmem:v50+s2+$0x0], $0xffff;
	_ =	sdelay $0x3  }
0xed: {  	v52 =	vld [tilespmem:s24+$0x1A040]  }
0xee: {  	[tilespmem:s24+$0x1B020] =	vst v0  }
0xef: {  	v1 =	vld.idx.msk [tilespmem:v51+s2+$0x0], $0xffff;
	_ =	sdelay $0x3  }
0xf0: {  	v53 =	vld [tilespmem:s24+$0x1A050]  }
0xf1: {  	[tilespmem:s24+$0x1B030] =	vst v1  }
0xf2: {  	v0 =	vld.idx.msk [tilespmem:v52+s2+$0x0], $0xffff;
	_ =	sdelay $0x3  }
0xf3: {  	v54 =	vld [tilespmem:s24+$0x1A060]  }
0xf4: {  	[tilespmem:s24+$0x1B040] =	vst v0  }
0xf5: {  	v1 =	vld.idx.msk [tilespmem:v53+s2+$0x0], $0xffff;
	_ =	sdelay $0x3  }
0xf6: {  	v55 =	vld [tilespmem:s24+$0x1A070]  }
0xf7: {  	[tilespmem:s24+$0x1B050] =	vst v1  }
0xf8: {  	v0 =	vld.idx.msk [tilespmem:v54+s2+$0x0], $0xffff;
	_ =	sdelay $0x3  }
0xf9: {  	v56 =	vld [tilespmem:s24+$0x1A080]  }
0xfa: {  	[tilespmem:s24+$0x1B060] =	vst v0  }
0xfb: {  	v1 =	vld.idx.msk [tilespmem:v55+s2+$0x0], $0xffff;
	_ =	sdelay $0x3  }
0xfc: {  	v57 =	vld [tilespmem:s24+$0x1A090]  }
0xfd: {  	[tilespmem:s24+$0x1B070] =	vst v1  }
0xfe: {  	v0 =	vld.idx.msk [tilespmem:v56+s2+$0x0], $0xffff;
	_ =	sdelay $0x3  }
0xff: {  	v58 =	vld [tilespmem:s24+$0x1A0A0]  }
0x100: {  	[tilespmem:s24+$0x1B080] =	vst v0  }
0x101: {  	v1 =	vld.idx.msk [tilespmem:v57+s2+$0x0], $0xffff;
	_ =	sdelay $0x3  }
0x102: {  	v59 =	vld [tilespmem:s24+$0x1A0B0]  }
0x103: {  	[tilespmem:s24+$0x1B090] =	vst v1  }
0x104: {  	v0 =	vld.idx.msk [tilespmem:v58+s2+$0x0], $0xffff;
	_ =	sdelay $0x3  }
0x105: {  	v60 =	vld [tilespmem:s24+$0x1A0C0]  }
0x106: {  	[tilespmem:s24+$0x1B0A0] =	vst v0  }
0x107: {  	v1 =	vld.idx.msk [tilespmem:v59+s2+$0x0], $0xffff;
	_ =	sdelay $0x3  }
0x108: {  	v61 =	vld [tilespmem:s24+$0x1A0D0]  }
0x109: {  	[tilespmem:s24+$0x1B0B0] =	vst v1  }
0x10a: {  	v0 =	vld.idx.msk [tilespmem:v60+s2+$0x0], $0xffff;
	_ =	sdelay $0x3  }
0x10b: {  	v62 =	vld [tilespmem:s24+$0x1A0E0]  }
0x10c: {  	[tilespmem:s24+$0x1B0C0] =	vst v0  }
0x10d: {  	v1 =	vld.idx.msk [tilespmem:v61+s2+$0x0], $0xffff;
	_ =	sdelay $0x3  }
0x10e: {  	v63 =	vld [tilespmem:s24+$0x1A0F0]  }
0x10f: {  	[tilespmem:s24+$0x1B0D0] =	vst v1  }
0x110: {  	v0 =	vld.idx.msk [tilespmem:v62+s2+$0x0], $0xffff;
	_ =	sdelay $0x4  }
0x111: {  	[tilespmem:s24+$0x1B0E0] =	vst v0  }
0x112: {  	v0 =	vld.idx.msk [tilespmem:v63+s2+$0x0], $0xffff;
	_ =	sdelay $0x2  }
0x113: {  	s21 =	sadd.s32 $0x1, s21  }
0x114: {  	p0 =	sne.s32 s21, s11  }
.Ltmp3:
0x115: {  	[tilespmem:s24+$0x1B0F0] =	vst v0;
	(pc) =	sbr.rel @p0 .LBB2_2-.Ltmp3, $4  }
0x116: {  	[hbm4b:s9+s12] =	stream.strided.scatter [tilespmem:s20], [sflag:$0x1], $0x1000, s18, s12, $0x38;
	[tilespmem:$0x1C000] =	vst v63  }
0x117: {  	_ =	swait.ge [sflag:s14], $0x1000  }
0x118: {  	[sflag:s14] =	ssyncset.done $0x0  }
0x119: {  	[sflag:s14] =	ssyncadd.s32 $0xFFFFF000  }
.LBB2_7:
0x11a: {  	_ =	sfence.sel $0x180000  }
0x11b: {  	[bflag:$0x0] =	sbarrier.arrive $0xFFFF  }
0x11c: {  	p0 =	sne.s32 s1, $0x0;
	_ =	strace $0x90000047  }
0x11d: {  	s0 =	sadd.s32 @!p0 $0x100000, s0;
	[bflag:$0x2] =	sbarrier.arrive $0xFFFF  }
0x11e: {  	[sflag:s0] =	ssyncadd.tile.s32 @!p0 $0x1;
	_ =	shalt  }
.Lfunc_end2:
_tile_overlayer_lowered:
.L_overlay_start_2:
0x11f: {  	(tag) =	ssettag $0x2  }
0x120: {  	s0 =	rddreg [dreg:$0x0];
	s2 =	stileid.u32  }
0x121: {  	s1 =	rddreg [dreg:$0x1];
	p0 =	sne.s32 s2, $0x0  }
0x122: {  	s3 =	rddreg [dreg:$0x2];
	[bflag:$0x3] =	sbarrier.arrive $0xFFFF;
	s2 =	simm.s32 @!p0 $0x1C01  }
0x123: {  	[timem:s3], [sflag:s2] =	dma.local @!p0 [hbm:s0], s1  }
0x124: {  	s0 =	simm.s32 @!p0 $0x1  }
0x125: {  	_ =	swait.ge @!p0 [sflag:s0], s1  }
0x126: {  	s1 =	ssub.s32 @!p0 $0x0, s1;
	[sflag:s0] =	ssyncset.done @!p0 $0x0  }
0x127: {  	[sflag:s0] =	ssyncadd.s32 @!p0 s1  }
0x128: {  	[bflag:$0x3] =	sbarrier.arrive $0xFFFF  }
0x129: {  	_ =	shalt  }

</sc_bundles>
